<compile_context>
chip_gen: v7x
topology: tpu7x:2x2x1
jax: 0.10.2.dev20260603
libtpu: 0.0.44.dev20260713+nightly
codegen_flags: <defaults>
</compile_context>

<pallas_src>
import jax
import jax.numpy as jnp
from jax import lax
from jax.experimental import pallas as pl
from jax.experimental.pallas import tpu as pltpu
from jax.experimental.pallas import tpu_sc as plsc

_NC = 2
_NS = 16
_NW = _NC * _NS
_L = 16

_R = 8
_NBUF = 2


def _make_kernel(B, d):
    rows_per_w = B // _NW
    nchunk = rows_per_w // _R
    nsuper = nchunk // _NBUF
    nvec = d // _L
    chunk_elems = _R * d

    mesh = plsc.VectorSubcoreMesh(
        core_axis_name="c", subcore_axis_name="s",
        num_cores=_NC, num_subcores=_NS,
    )

    scratch = (
        [pltpu.VMEM((d,), jnp.int32)] * 2
        + [pltpu.VMEM((_L,), jnp.int32)]
        + [pltpu.VMEM((chunk_elems,), jnp.float32)] * (2 * _NBUF)
        + [pltpu.SemaphoreType.DMA] * (2 * _NBUF)
    )

    def body(x_hbm, perm_hbm, pos_hbm, out_hbm, perm_v, cp_v, pos_v,
             in0, in1, out0, out1, isem0, isem1, osem0, osem1):
        in_bufs = (in0, in1)
        out_bufs = (out0, out1)
        in_sems = (isem0, isem1)
        out_sems = (osem0, osem1)

        wid = lax.axis_index("s") * _NC + lax.axis_index("c")
        elem0 = wid * (rows_per_w * d)

        pltpu.sync_copy(perm_hbm, perm_v)
        pltpu.sync_copy(pos_hbm, pos_v)

        pos = pos_v[...]
        pos = lax.rem(lax.rem(pos, d) + d, d)
        iota = lax.iota(jnp.int32, _L)

        @plsc.parallel_loop(0, nvec)
        def _cp(j):
            idx = lax.rem(iota + (j * _L + pos), d)
            cp_v[pl.ds(j * _L, _L)] = plsc.load_gather(perm_v, [idx])

        def in_copy(c, b):
            return pltpu.make_async_copy(
                x_hbm.at[pl.ds(elem0 + c * chunk_elems, chunk_elems)],
                in_bufs[b], in_sems[b])

        def out_copy(c, b):
            return pltpu.make_async_copy(
                out_bufs[b],
                out_hbm.at[pl.ds(elem0 + c * chunk_elems, chunk_elems)],
                out_sems[b])

        for b in range(_NBUF):
            in_copy(b, b).start()

        @pl.loop(0, nsuper)
        def _super(g):
            c0 = g * _NBUF
            for b in range(_NBUF):
                c = c0 + b
                in_copy(c, b).wait()

                @pl.when(g > 0)
                def _():
                    out_copy(c, b).wait()

                @plsc.parallel_loop(0, nvec, unroll=4)
                def _g(j):
                    ci = cp_v[pl.ds(j * _L, _L)]
                    o = j * _L
                    for r in range(_R):
                        out_bufs[b][pl.ds(r * d + o, _L)] = plsc.load_gather(
                            in_bufs[b], [ci + (r * d)])

                out_copy(c, b).start()

                @pl.when(c + _NBUF < nchunk)
                def _():
                    in_copy(c + _NBUF, b).start()

        for b in range(_NBUF):
            out_copy(nchunk - _NBUF + b, b).wait()

    return pl.kernel(
        body,
        out_type=jax.ShapeDtypeStruct((B * d,), jnp.float32),
        mesh=mesh,
        scratch_types=scratch,
        compiler_params=pltpu.CompilerParams(needs_layout_passes=False),
    )


def kernel(x, permutation, position):
    B, d = x.shape
    pos16 = jnp.broadcast_to(
        jnp.asarray(position, jnp.int32).reshape(()), (_L,))
    k = _make_kernel(B, d)
    out_flat = k(x.reshape(B * d), permutation.astype(jnp.int32), pos16)
    return out_flat.reshape(B, d)

# --- scband reference (transcript-rebuilt; emitter-appended) ---
"""Pipeline reference for scband-rotor-25443386261680 (READ-ONLY COPY).

The authoritative reference and input builder live on the scoring server;
editing this copy changes nothing except your own understanding.
"""

import jax, jax.numpy as jnp
import numpy as np


def setup_inputs(seed: int = 0) -> dict:
    key = jax.random.key(seed)
    k1, k2 = jax.random.split(key)
    d = 2048
    B = 32768
    x = jax.random.normal(k1, (B, d), dtype=jnp.float32)
    # buffer: base permutation (torch.randperm equivalent)
    permutation = jax.random.permutation(k2, d).astype(jnp.int32)
    # buffer: rotor position, initialized to 0
    position = jnp.array(0, dtype=jnp.int32)
    return {"x": x, "permutation": permutation, "position": position}


def reference(x, permutation, position):
    # Faithful translation of Rotor.forward:
    # current_perm = cached_forward_perms[position] = shift(permutation, position)
    d = permutation.shape[0]
    indices = (jnp.arange(d, dtype=jnp.int32) + position) % d
    current_perm = permutation[indices]
    # gather columns: x[:, current_perm]
    return jnp.take(x, current_perm, axis=1)

if __name__ == "__main__":
    import jax
    _d = setup_inputs()
    print(jax.jit(kernel)(*tuple(_d.values())))

</pallas_src>

<mosaic_0001>
#map = affine_map<(d0, d1) -> (0)>
module attributes {stable_mosaic.version = 14 : i64} {
  func.func @body(%arg0: i32, %arg1: i32, %arg2: memref<67108864xf32, #tpu.memory_space<hbm>>, %arg3: memref<2048xi32, #tpu.memory_space<hbm>>, %arg4: memref<16xi32, #tpu.memory_space<hbm>>, %arg5: memref<67108864xf32, #tpu.memory_space<hbm>>, %arg6: memref<2048xi32, #tpu.memory_space<vmem>>, %arg7: memref<2048xi32, #tpu.memory_space<vmem>>, %arg8: memref<16xi32, #tpu.memory_space<vmem>>, %arg9: memref<16384xf32, #tpu.memory_space<vmem>>, %arg10: memref<16384xf32, #tpu.memory_space<vmem>>, %arg11: memref<16384xf32, #tpu.memory_space<vmem>>, %arg12: memref<16384xf32, #tpu.memory_space<vmem>>, %arg13: memref<!tpu.dma_semaphore, #tpu.memory_space<semaphore_mem>>, %arg14: memref<!tpu.dma_semaphore, #tpu.memory_space<semaphore_mem>>, %arg15: memref<!tpu.dma_semaphore, #tpu.memory_space<semaphore_mem>>, %arg16: memref<!tpu.dma_semaphore, #tpu.memory_space<semaphore_mem>>) attributes {dimension_semantics = [#tpu.dimension_semantics<core_parallel>, #tpu.dimension_semantics<subcore_parallel>], iteration_bounds = array<i64: 2, 16>, scalar_prefetch = 0 : i64, scratch_operands = 11 : i64, tpu.core_type = #tpu.core_type<sc_vector_subcore>, window_params = [{transform_indices = #map}, {transform_indices = #map}, {transform_indices = #map}, {transform_indices = #map}]} {
    %mul3A = arith.constant 2 : i32
    %mul3A_0 = arith.muli %arg1, %mul3A : i32
    %add3A = arith.addi %mul3A_0, %arg0 : i32
    %mul3A_1 = arith.constant 2097152 : i32
    %mul3A_2 = arith.muli %add3A, %mul3A_1 : i32
    "tpu.region"() ({
      %run_scoped3A = tpu.sem_alloc : memref<!tpu.dma_semaphore, #tpu.memory_space<semaphore_mem>>
      tpu.enqueue_dma source(%arg3 : memref<2048xi32, #tpu.memory_space<hbm>>) target(%arg6 : memref<2048xi32, #tpu.memory_space<vmem>>) target_semaphore(%run_scoped3A : memref<!tpu.dma_semaphore, #tpu.memory_space<semaphore_mem>>)
      tpu.wait_dma2 semaphore(%run_scoped3A : memref<!tpu.dma_semaphore, #tpu.memory_space<semaphore_mem>>) src(%arg3 : memref<2048xi32, #tpu.memory_space<hbm>>) dst(%arg6 : memref<2048xi32, #tpu.memory_space<vmem>>)
      tpu.yield
    }) : () -> ()
    "tpu.region"() ({
      %run_scoped3A = tpu.sem_alloc : memref<!tpu.dma_semaphore, #tpu.memory_space<semaphore_mem>>
      tpu.enqueue_dma source(%arg4 : memref<16xi32, #tpu.memory_space<hbm>>) target(%arg8 : memref<16xi32, #tpu.memory_space<vmem>>) target_semaphore(%run_scoped3A : memref<!tpu.dma_semaphore, #tpu.memory_space<semaphore_mem>>)
      tpu.wait_dma2 semaphore(%run_scoped3A : memref<!tpu.dma_semaphore, #tpu.memory_space<semaphore_mem>>) src(%arg4 : memref<16xi32, #tpu.memory_space<hbm>>) dst(%arg8 : memref<16xi32, #tpu.memory_space<vmem>>)
      tpu.yield
    }) : () -> ()
    %get3A = arith.constant 0 : index
    %get3A_3 = tpu.vector_load %arg8[%get3A] {strides = array<i32>} : memref<16xi32, #tpu.memory_space<vmem>>, vector<16xi32>,
    %rem3A = arith.constant 2048 : i32
    %rem3A_4 = vector.broadcast %rem3A : i32 to vector<16xi32>
    %rem3A_5 = arith.remsi %get3A_3, %rem3A_4 : vector<16xi32>
    %add3A_6 = arith.constant 2048 : i32
    %add3A_7 = vector.broadcast %add3A_6 : i32 to vector<16xi32>
    %add3A_8 = arith.addi %rem3A_5, %add3A_7 : vector<16xi32>
    %rem3A_9 = arith.constant 2048 : i32
    %rem3A_10 = vector.broadcast %rem3A_9 : i32 to vector<16xi32>
    %rem3A_11 = arith.remsi %add3A_8, %rem3A_10 : vector<16xi32>
    %iota3A = tpu.iota {dimensions = array<i32: 0>} : vector<16xi32>
    %parallel_loop3A = arith.constant 0 : i32
    %parallel_loop3A_12 = arith.constant 128 : i32
    %parallel_loop3A_13 = arith.constant 1 : i32
    scf.for %parallel_loop3A_32 = %parallel_loop3A to %parallel_loop3A_12 step %parallel_loop3A_13  : i32 {
      %parallel_loop3A_33 = arith.constant 16 : i32
      %parallel_loop3A_34 = arith.muli %parallel_loop3A_32, %parallel_loop3A_33 : i32
      %parallel_loop3A_35 = vector.broadcast %parallel_loop3A_34 : i32 to vector<16xi32>
      %parallel_loop3A_36 = arith.addi %parallel_loop3A_35, %rem3A_11 : vector<16xi32>
      %parallel_loop3A_37 = arith.addi %iota3A, %parallel_loop3A_36 : vector<16xi32>
      %parallel_loop3A_38 = arith.constant 2048 : i32
      %parallel_loop3A_39 = vector.broadcast %parallel_loop3A_38 : i32 to vector<16xi32>
      %parallel_loop3A_40 = arith.remsi %parallel_loop3A_37, %parallel_loop3A_39 : vector<16xi32>
      %parallel_loop3A_41 = tpu.vector_load_idx %arg6[%parallel_loop3A_40] : memref<2048xi32, #tpu.memory_space<vmem>>[vector<16xi32>], vector<16xi32>,
      %parallel_loop3A_42 = arith.constant 16 : i32
      %parallel_loop3A_43 = arith.muli %parallel_loop3A_32, %parallel_loop3A_42 : i32
      %parallel_loop3A_44 = arith.index_cast %parallel_loop3A_43 : i32 to index
      %parallel_loop3A_45 = tpu.vector_load %arg7[%parallel_loop3A_44] {strides = array<i32>} : memref<2048xi32, #tpu.memory_space<vmem>>, vector<16xi32>,
      tpu.vector_store %arg7[%parallel_loop3A_44], %parallel_loop3A_41 {strides = array<i32>} : memref<2048xi32, #tpu.memory_space<vmem>>, vector<16xi32>,
    } {sc.loop_unroll_factor = 1 : i64, sc.parallel_access}
    %add3A_14 = arith.constant 0 : i32
    %add3A_15 = arith.addi %mul3A_2, %add3A_14 : i32
    %dma_start3A = tpu.memref_slice %arg2[%add3A_15] : memref<67108864xf32, #tpu.memory_space<hbm>> -> memref<16384xf32, #tpu.memory_space<hbm>>
    %dma_start3A_16 = tpu.memref_slice %arg2[%add3A_15] : memref<67108864xf32, #tpu.memory_space<hbm>> -> memref<16384xf32, #tpu.memory_space<hbm>>
    tpu.enqueue_dma source(%dma_start3A_16 : memref<16384xf32, #tpu.memory_space<hbm>>) target(%arg9 : memref<16384xf32, #tpu.memory_space<vmem>>) target_semaphore(%arg13 : memref<!tpu.dma_semaphore, #tpu.memory_space<semaphore_mem>>)
    %add3A_17 = arith.constant 16384 : i32
    %add3A_18 = arith.addi %mul3A_2, %add3A_17 : i32
    %dma_start3A_19 = tpu.memref_slice %arg2[%add3A_18] : memref<67108864xf32, #tpu.memory_space<hbm>> -> memref<16384xf32, #tpu.memory_space<hbm>>
    %dma_start3A_20 = tpu.memref_slice %arg2[%add3A_18] : memref<67108864xf32, #tpu.memory_space<hbm>> -> memref<16384xf32, #tpu.memory_space<hbm>>
    tpu.enqueue_dma source(%dma_start3A_20 : memref<16384xf32, #tpu.memory_space<hbm>>) target(%arg10 : memref<16384xf32, #tpu.memory_space<vmem>>) target_semaphore(%arg14 : memref<!tpu.dma_semaphore, #tpu.memory_space<semaphore_mem>>)
    %scan3A = arith.constant 0 : i32
    %scan3A_21 = arith.constant 64 : i32
    %scan3A_22 = arith.addi %scan3A, %scan3A_21 : i32
    %scan3A_23 = arith.constant 1 : i32
    scf.for %scan3A_32 = %scan3A to %scan3A_22 step %scan3A_23  : i32 {
      %mul3A_33 = arith.constant 1 : i32
      %mul3A_34 = arith.muli %scan3A_32, %mul3A_33 : i32
      %add3A_35 = arith.constant 0 : i32
      %add3A_36 = arith.addi %add3A_35, %mul3A_34 : i32
      %mul3A_37 = arith.constant 2 : i32
      %mul3A_38 = arith.muli %add3A_36, %mul3A_37 : i32
      %add3A_39 = arith.constant 0 : i32
      %add3A_40 = arith.addi %mul3A_38, %add3A_39 : i32
      %mul3A_41 = arith.constant 16384 : i32
      %mul3A_42 = arith.muli %add3A_40, %mul3A_41 : i32
      %add3A_43 = arith.addi %mul3A_2, %mul3A_42 : i32
      %dma_wait3A_44 = tpu.memref_slice %arg2[%add3A_43] : memref<67108864xf32, #tpu.memory_space<hbm>> -> memref<16384xf32, #tpu.memory_space<hbm>>
      %dma_wait3A_45 = tpu.memref_slice %arg2[%add3A_43] : memref<67108864xf32, #tpu.memory_space<hbm>> -> memref<16384xf32, #tpu.memory_space<hbm>>
      tpu.wait_dma2 semaphore(%arg13 : memref<!tpu.dma_semaphore, #tpu.memory_space<semaphore_mem>>) src(%dma_wait3A_45 : memref<16384xf32, #tpu.memory_space<hbm>>) dst(%arg9 : memref<16384xf32, #tpu.memory_space<vmem>>)
      %gt3A = arith.constant 0 : i32
      %gt3A_46 = arith.cmpi sgt, %add3A_36, %gt3A : i32
      %convert_element_type3A = arith.extui %gt3A_46 : i1 to i32
      %cond3A = arith.constant 0 : i32
      %cond3A_47 = arith.cmpi ne, %convert_element_type3A, %cond3A : i32
      scf.if %cond3A_47 {
        %mul3A_89 = arith.constant 16384 : i32
        %mul3A_90 = arith.muli %add3A_40, %mul3A_89 : i32
        %add3A_91 = arith.addi %mul3A_2, %mul3A_90 : i32
        %dma_wait3A_92 = tpu.memref_slice %arg5[%add3A_91] : memref<67108864xf32, #tpu.memory_space<hbm>> -> memref<16384xf32, #tpu.memory_space<hbm>>
        %dma_wait3A_93 = tpu.memref_slice %arg5[%add3A_91] : memref<67108864xf32, #tpu.memory_space<hbm>> -> memref<16384xf32, #tpu.memory_space<hbm>>
        tpu.wait_dma2 semaphore(%arg15 : memref<!tpu.dma_semaphore, #tpu.memory_space<semaphore_mem>>) src(%arg11 : memref<16384xf32, #tpu.memory_space<vmem>>) dst(%dma_wait3A_93 : memref<16384xf32, #tpu.memory_space<hbm>>)
      } else {
      }
      %parallel_loop3A_48 = arith.constant 0 : i32
      %parallel_loop3A_49 = arith.constant 128 : i32
      %parallel_loop3A_50 = arith.constant 1 : i32
      scf.for %parallel_loop3A_89 = %parallel_loop3A_48 to %parallel_loop3A_49 step %parallel_loop3A_50  : i32 {
        %parallel_loop3A_90 = arith.constant 16 : i32
        %parallel_loop3A_91 = arith.muli %parallel_loop3A_89, %parallel_loop3A_90 : i32
        %parallel_loop3A_92 = arith.index_cast %parallel_loop3A_91 : i32 to index
        %parallel_loop3A_93 = tpu.vector_load %arg7[%parallel_loop3A_92] {strides = array<i32>} : memref<2048xi32, #tpu.memory_space<vmem>>, vector<16xi32>,
        %parallel_loop3A_94 = arith.constant 16 : i32
        %parallel_loop3A_95 = arith.muli %parallel_loop3A_89, %parallel_loop3A_94 : i32
        %parallel_loop3A_96 = arith.constant 0 : i32
        %parallel_loop3A_97 = vector.broadcast %parallel_loop3A_96 : i32 to vector<16xi32>
        %parallel_loop3A_98 = arith.addi %parallel_loop3A_93, %parallel_loop3A_97 : vector<16xi32>
        %parallel_loop3A_99 = tpu.vector_load_idx %arg9[%parallel_loop3A_98] : memref<16384xf32, #tpu.memory_space<vmem>>[vector<16xi32>], vector<16xf32>,
        %parallel_loop3A_100 = arith.constant 0 : i32
        %parallel_loop3A_101 = arith.addi %parallel_loop3A_100, %parallel_loop3A_95 : i32
        %parallel_loop3A_102 = arith.index_cast %parallel_loop3A_101 : i32 to index
        %parallel_loop3A_103 = tpu.vector_load %arg11[%parallel_loop3A_102] {strides = array<i32>} : memref<16384xf32, #tpu.memory_space<vmem>>, vector<16xf32>,
        tpu.vector_store %arg11[%parallel_loop3A_102], %parallel_loop3A_99 {strides = array<i32>} : memref<16384xf32, #tpu.memory_space<vmem>>, vector<16xf32>,
        %parallel_loop3A_104 = arith.constant 2048 : i32
        %parallel_loop3A_105 = vector.broadcast %parallel_loop3A_104 : i32 to vector<16xi32>
        %parallel_loop3A_106 = arith.addi %parallel_loop3A_93, %parallel_loop3A_105 : vector<16xi32>
        %parallel_loop3A_107 = tpu.vector_load_idx %arg9[%parallel_loop3A_106] : memref<16384xf32, #tpu.memory_space<vmem>>[vector<16xi32>], vector<16xf32>,
        %parallel_loop3A_108 = arith.constant 2048 : i32
        %parallel_loop3A_109 = arith.addi %parallel_loop3A_108, %parallel_loop3A_95 : i32
        %parallel_loop3A_110 = arith.index_cast %parallel_loop3A_109 : i32 to index
        %parallel_loop3A_111 = tpu.vector_load %arg11[%parallel_loop3A_110] {strides = array<i32>} : memref<16384xf32, #tpu.memory_space<vmem>>, vector<16xf32>,
        tpu.vector_store %arg11[%parallel_loop3A_110], %parallel_loop3A_107 {strides = array<i32>} : memref<16384xf32, #tpu.memory_space<vmem>>, vector<16xf32>,
        %parallel_loop3A_112 = arith.constant 4096 : i32
        %parallel_loop3A_113 = vector.broadcast %parallel_loop3A_112 : i32 to vector<16xi32>
        %parallel_loop3A_114 = arith.addi %parallel_loop3A_93, %parallel_loop3A_113 : vector<16xi32>
        %parallel_loop3A_115 = tpu.vector_load_idx %arg9[%parallel_loop3A_114] : memref<16384xf32, #tpu.memory_space<vmem>>[vector<16xi32>], vector<16xf32>,
        %parallel_loop3A_116 = arith.constant 4096 : i32
        %parallel_loop3A_117 = arith.addi %parallel_loop3A_116, %parallel_loop3A_95 : i32
        %parallel_loop3A_118 = arith.index_cast %parallel_loop3A_117 : i32 to index
        %parallel_loop3A_119 = tpu.vector_load %arg11[%parallel_loop3A_118] {strides = array<i32>} : memref<16384xf32, #tpu.memory_space<vmem>>, vector<16xf32>,
        tpu.vector_store %arg11[%parallel_loop3A_118], %parallel_loop3A_115 {strides = array<i32>} : memref<16384xf32, #tpu.memory_space<vmem>>, vector<16xf32>,
        %parallel_loop3A_120 = arith.constant 6144 : i32
        %parallel_loop3A_121 = vector.broadcast %parallel_loop3A_120 : i32 to vector<16xi32>
        %parallel_loop3A_122 = arith.addi %parallel_loop3A_93, %parallel_loop3A_121 : vector<16xi32>
        %parallel_loop3A_123 = tpu.vector_load_idx %arg9[%parallel_loop3A_122] : memref<16384xf32, #tpu.memory_space<vmem>>[vector<16xi32>], vector<16xf32>,
        %parallel_loop3A_124 = arith.constant 6144 : i32
        %parallel_loop3A_125 = arith.addi %parallel_loop3A_124, %parallel_loop3A_95 : i32
        %parallel_loop3A_126 = arith.index_cast %parallel_loop3A_125 : i32 to index
        %parallel_loop3A_127 = tpu.vector_load %arg11[%parallel_loop3A_126] {strides = array<i32>} : memref<16384xf32, #tpu.memory_space<vmem>>, vector<16xf32>,
        tpu.vector_store %arg11[%parallel_loop3A_126], %parallel_loop3A_123 {strides = array<i32>} : memref<16384xf32, #tpu.memory_space<vmem>>, vector<16xf32>,
        %parallel_loop3A_128 = arith.constant 8192 : i32
        %parallel_loop3A_129 = vector.broadcast %parallel_loop3A_128 : i32 to vector<16xi32>
        %parallel_loop3A_130 = arith.addi %parallel_loop3A_93, %parallel_loop3A_129 : vector<16xi32>
        %parallel_loop3A_131 = tpu.vector_load_idx %arg9[%parallel_loop3A_130] : memref<16384xf32, #tpu.memory_space<vmem>>[vector<16xi32>], vector<16xf32>,
        %parallel_loop3A_132 = arith.constant 8192 : i32
        %parallel_loop3A_133 = arith.addi %parallel_loop3A_132, %parallel_loop3A_95 : i32
        %parallel_loop3A_134 = arith.index_cast %parallel_loop3A_133 : i32 to index
        %parallel_loop3A_135 = tpu.vector_load %arg11[%parallel_loop3A_134] {strides = array<i32>} : memref<16384xf32, #tpu.memory_space<vmem>>, vector<16xf32>,
        tpu.vector_store %arg11[%parallel_loop3A_134], %parallel_loop3A_131 {strides = array<i32>} : memref<16384xf32, #tpu.memory_space<vmem>>, vector<16xf32>,
        %parallel_loop3A_136 = arith.constant 10240 : i32
        %parallel_loop3A_137 = vector.broadcast %parallel_loop3A_136 : i32 to vector<16xi32>
        %parallel_loop3A_138 = arith.addi %parallel_loop3A_93, %parallel_loop3A_137 : vector<16xi32>
        %parallel_loop3A_139 = tpu.vector_load_idx %arg9[%parallel_loop3A_138] : memref<16384xf32, #tpu.memory_space<vmem>>[vector<16xi32>], vector<16xf32>,
        %parallel_loop3A_140 = arith.constant 10240 : i32
        %parallel_loop3A_141 = arith.addi %parallel_loop3A_140, %parallel_loop3A_95 : i32
        %parallel_loop3A_142 = arith.index_cast %parallel_loop3A_141 : i32 to index
        %parallel_loop3A_143 = tpu.vector_load %arg11[%parallel_loop3A_142] {strides = array<i32>} : memref<16384xf32, #tpu.memory_space<vmem>>, vector<16xf32>,
        tpu.vector_store %arg11[%parallel_loop3A_142], %parallel_loop3A_139 {strides = array<i32>} : memref<16384xf32, #tpu.memory_space<vmem>>, vector<16xf32>,
        %parallel_loop3A_144 = arith.constant 12288 : i32
        %parallel_loop3A_145 = vector.broadcast %parallel_loop3A_144 : i32 to vector<16xi32>
        %parallel_loop3A_146 = arith.addi %parallel_loop3A_93, %parallel_loop3A_145 : vector<16xi32>
        %parallel_loop3A_147 = tpu.vector_load_idx %arg9[%parallel_loop3A_146] : memref<16384xf32, #tpu.memory_space<vmem>>[vector<16xi32>], vector<16xf32>,
        %parallel_loop3A_148 = arith.constant 12288 : i32
        %parallel_loop3A_149 = arith.addi %parallel_loop3A_148, %parallel_loop3A_95 : i32
        %parallel_loop3A_150 = arith.index_cast %parallel_loop3A_149 : i32 to index
        %parallel_loop3A_151 = tpu.vector_load %arg11[%parallel_loop3A_150] {strides = array<i32>} : memref<16384xf32, #tpu.memory_space<vmem>>, vector<16xf32>,
        tpu.vector_store %arg11[%parallel_loop3A_150], %parallel_loop3A_147 {strides = array<i32>} : memref<16384xf32, #tpu.memory_space<vmem>>, vector<16xf32>,
        %parallel_loop3A_152 = arith.constant 14336 : i32
        %parallel_loop3A_153 = vector.broadcast %parallel_loop3A_152 : i32 to vector<16xi32>
        %parallel_loop3A_154 = arith.addi %parallel_loop3A_93, %parallel_loop3A_153 : vector<16xi32>
        %parallel_loop3A_155 = tpu.vector_load_idx %arg9[%parallel_loop3A_154] : memref<16384xf32, #tpu.memory_space<vmem>>[vector<16xi32>], vector<16xf32>,
        %parallel_loop3A_156 = arith.constant 14336 : i32
        %parallel_loop3A_157 = arith.addi %parallel_loop3A_156, %parallel_loop3A_95 : i32
        %parallel_loop3A_158 = arith.index_cast %parallel_loop3A_157 : i32 to index
        %parallel_loop3A_159 = tpu.vector_load %arg11[%parallel_loop3A_158] {strides = array<i32>} : memref<16384xf32, #tpu.memory_space<vmem>>, vector<16xf32>,
        tpu.vector_store %arg11[%parallel_loop3A_158], %parallel_loop3A_155 {strides = array<i32>} : memref<16384xf32, #tpu.memory_space<vmem>>, vector<16xf32>,
      } {sc.loop_unroll_factor = 4 : i64, sc.parallel_access}
      %mul3A_51 = arith.constant 16384 : i32
      %mul3A_52 = arith.muli %add3A_40, %mul3A_51 : i32
      %add3A_53 = arith.addi %mul3A_2, %mul3A_52 : i32
      %dma_start3A_54 = tpu.memref_slice %arg5[%add3A_53] : memref<67108864xf32, #tpu.memory_space<hbm>> -> memref<16384xf32, #tpu.memory_space<hbm>>
      %dma_start3A_55 = tpu.memref_slice %arg5[%add3A_53] : memref<67108864xf32, #tpu.memory_space<hbm>> -> memref<16384xf32, #tpu.memory_space<hbm>>
      tpu.enqueue_dma source(%arg11 : memref<16384xf32, #tpu.memory_space<vmem>>) target(%dma_start3A_55 : memref<16384xf32, #tpu.memory_space<hbm>>) target_semaphore(%arg15 : memref<!tpu.dma_semaphore, #tpu.memory_space<semaphore_mem>>)
      %add3A_56 = arith.constant 2 : i32
      %add3A_57 = arith.addi %add3A_40, %add3A_56 : i32
      %lt3A = arith.constant 128 : i32
      %lt3A_58 = arith.cmpi slt, %add3A_57, %lt3A : i32
      %convert_element_type3A_59 = arith.extui %lt3A_58 : i1 to i32
      %cond3A_60 = arith.constant 0 : i32
      %cond3A_61 = arith.cmpi ne, %convert_element_type3A_59, %cond3A_60 : i32
      scf.if %cond3A_61 {
        %add3A_89 = arith.constant 2 : i32
        %add3A_90 = arith.addi %add3A_40, %add3A_89 : i32
        %mul3A_91 = arith.constant 16384 : i32
        %mul3A_92 = arith.muli %add3A_90, %mul3A_91 : i32
        %add3A_93 = arith.addi %mul3A_2, %mul3A_92 : i32
        %dma_start3A_94 = tpu.memref_slice %arg2[%add3A_93] : memref<67108864xf32, #tpu.memory_space<hbm>> -> memref<16384xf32, #tpu.memory_space<hbm>>
        %dma_start3A_95 = tpu.memref_slice %arg2[%add3A_93] : memref<67108864xf32, #tpu.memory_space<hbm>> -> memref<16384xf32, #tpu.memory_space<hbm>>
        tpu.enqueue_dma source(%dma_start3A_95 : memref<16384xf32, #tpu.memory_space<hbm>>) target(%arg9 : memref<16384xf32, #tpu.memory_space<vmem>>) target_semaphore(%arg13 : memref<!tpu.dma_semaphore, #tpu.memory_space<semaphore_mem>>)
      } else {
      }
      %add3A_62 = arith.constant 1 : i32
      %add3A_63 = arith.addi %mul3A_38, %add3A_62 : i32
      %mul3A_64 = arith.constant 16384 : i32
      %mul3A_65 = arith.muli %add3A_63, %mul3A_64 : i32
      %add3A_66 = arith.addi %mul3A_2, %mul3A_65 : i32
      %dma_wait3A_67 = tpu.memref_slice %arg2[%add3A_66] : memref<67108864xf32, #tpu.memory_space<hbm>> -> memref<16384xf32, #tpu.memory_space<hbm>>
      %dma_wait3A_68 = tpu.memref_slice %arg2[%add3A_66] : memref<67108864xf32, #tpu.memory_space<hbm>> -> memref<16384xf32, #tpu.memory_space<hbm>>
      tpu.wait_dma2 semaphore(%arg14 : memref<!tpu.dma_semaphore, #tpu.memory_space<semaphore_mem>>) src(%dma_wait3A_68 : memref<16384xf32, #tpu.memory_space<hbm>>) dst(%arg10 : memref<16384xf32, #tpu.memory_space<vmem>>)
      %gt3A_69 = arith.constant 0 : i32
      %gt3A_70 = arith.cmpi sgt, %add3A_36, %gt3A_69 : i32
      %convert_element_type3A_71 = arith.extui %gt3A_70 : i1 to i32
      %cond3A_72 = arith.constant 0 : i32
      %cond3A_73 = arith.cmpi ne, %convert_element_type3A_71, %cond3A_72 : i32
      scf.if %cond3A_73 {
        %mul3A_89 = arith.constant 16384 : i32
        %mul3A_90 = arith.muli %add3A_63, %mul3A_89 : i32
        %add3A_91 = arith.addi %mul3A_2, %mul3A_90 : i32
        %dma_wait3A_92 = tpu.memref_slice %arg5[%add3A_91] : memref<67108864xf32, #tpu.memory_space<hbm>> -> memref<16384xf32, #tpu.memory_space<hbm>>
        %dma_wait3A_93 = tpu.memref_slice %arg5[%add3A_91] : memref<67108864xf32, #tpu.memory_space<hbm>> -> memref<16384xf32, #tpu.memory_space<hbm>>
        tpu.wait_dma2 semaphore(%arg16 : memref<!tpu.dma_semaphore, #tpu.memory_space<semaphore_mem>>) src(%arg12 : memref<16384xf32, #tpu.memory_space<vmem>>) dst(%dma_wait3A_93 : memref<16384xf32, #tpu.memory_space<hbm>>)
      } else {
      }
      %parallel_loop3A_74 = arith.constant 0 : i32
      %parallel_loop3A_75 = arith.constant 128 : i32
      %parallel_loop3A_76 = arith.constant 1 : i32
      scf.for %parallel_loop3A_89 = %parallel_loop3A_74 to %parallel_loop3A_75 step %parallel_loop3A_76  : i32 {
        %parallel_loop3A_90 = arith.constant 16 : i32
        %parallel_loop3A_91 = arith.muli %parallel_loop3A_89, %parallel_loop3A_90 : i32
        %parallel_loop3A_92 = arith.index_cast %parallel_loop3A_91 : i32 to index
        %parallel_loop3A_93 = tpu.vector_load %arg7[%parallel_loop3A_92] {strides = array<i32>} : memref<2048xi32, #tpu.memory_space<vmem>>, vector<16xi32>,
        %parallel_loop3A_94 = arith.constant 16 : i32
        %parallel_loop3A_95 = arith.muli %parallel_loop3A_89, %parallel_loop3A_94 : i32
        %parallel_loop3A_96 = arith.constant 0 : i32
        %parallel_loop3A_97 = vector.broadcast %parallel_loop3A_96 : i32 to vector<16xi32>
        %parallel_loop3A_98 = arith.addi %parallel_loop3A_93, %parallel_loop3A_97 : vector<16xi32>
        %parallel_loop3A_99 = tpu.vector_load_idx %arg10[%parallel_loop3A_98] : memref<16384xf32, #tpu.memory_space<vmem>>[vector<16xi32>], vector<16xf32>,
        %parallel_loop3A_100 = arith.constant 0 : i32
        %parallel_loop3A_101 = arith.addi %parallel_loop3A_100, %parallel_loop3A_95 : i32
        %parallel_loop3A_102 = arith.index_cast %parallel_loop3A_101 : i32 to index
        %parallel_loop3A_103 = tpu.vector_load %arg12[%parallel_loop3A_102] {strides = array<i32>} : memref<16384xf32, #tpu.memory_space<vmem>>, vector<16xf32>,
        tpu.vector_store %arg12[%parallel_loop3A_102], %parallel_loop3A_99 {strides = array<i32>} : memref<16384xf32, #tpu.memory_space<vmem>>, vector<16xf32>,
        %parallel_loop3A_104 = arith.constant 2048 : i32
        %parallel_loop3A_105 = vector.broadcast %parallel_loop3A_104 : i32 to vector<16xi32>
        %parallel_loop3A_106 = arith.addi %parallel_loop3A_93, %parallel_loop3A_105 : vector<16xi32>
        %parallel_loop3A_107 = tpu.vector_load_idx %arg10[%parallel_loop3A_106] : memref<16384xf32, #tpu.memory_space<vmem>>[vector<16xi32>], vector<16xf32>,
        %parallel_loop3A_108 = arith.constant 2048 : i32
        %parallel_loop3A_109 = arith.addi %parallel_loop3A_108, %parallel_loop3A_95 : i32
        %parallel_loop3A_110 = arith.index_cast %parallel_loop3A_109 : i32 to index
        %parallel_loop3A_111 = tpu.vector_load %arg12[%parallel_loop3A_110] {strides = array<i32>} : memref<16384xf32, #tpu.memory_space<vmem>>, vector<16xf32>,
        tpu.vector_store %arg12[%parallel_loop3A_110], %parallel_loop3A_107 {strides = array<i32>} : memref<16384xf32, #tpu.memory_space<vmem>>, vector<16xf32>,
        %parallel_loop3A_112 = arith.constant 4096 : i32
        %parallel_loop3A_113 = vector.broadcast %parallel_loop3A_112 : i32 to vector<16xi32>
        %parallel_loop3A_114 = arith.addi %parallel_loop3A_93, %parallel_loop3A_113 : vector<16xi32>
        %parallel_loop3A_115 = tpu.vector_load_idx %arg10[%parallel_loop3A_114] : memref<16384xf32, #tpu.memory_space<vmem>>[vector<16xi32>], vector<16xf32>,
        %parallel_loop3A_116 = arith.constant 4096 : i32
        %parallel_loop3A_117 = arith.addi %parallel_loop3A_116, %parallel_loop3A_95 : i32
        %parallel_loop3A_118 = arith.index_cast %parallel_loop3A_117 : i32 to index
        %parallel_loop3A_119 = tpu.vector_load %arg12[%parallel_loop3A_118] {strides = array<i32>} : memref<16384xf32, #tpu.memory_space<vmem>>, vector<16xf32>,
        tpu.vector_store %arg12[%parallel_loop3A_118], %parallel_loop3A_115 {strides = array<i32>} : memref<16384xf32, #tpu.memory_space<vmem>>, vector<16xf32>,
        %parallel_loop3A_120 = arith.constant 6144 : i32
        %parallel_loop3A_121 = vector.broadcast %parallel_loop3A_120 : i32 to vector<16xi32>
        %parallel_loop3A_122 = arith.addi %parallel_loop3A_93, %parallel_loop3A_121 : vector<16xi32>
        %parallel_loop3A_123 = tpu.vector_load_idx %arg10[%parallel_loop3A_122] : memref<16384xf32, #tpu.memory_space<vmem>>[vector<16xi32>], vector<16xf32>,
        %parallel_loop3A_124 = arith.constant 6144 : i32
        %parallel_loop3A_125 = arith.addi %parallel_loop3A_124, %parallel_loop3A_95 : i32
        %parallel_loop3A_126 = arith.index_cast %parallel_loop3A_125 : i32 to index
        %parallel_loop3A_127 = tpu.vector_load %arg12[%parallel_loop3A_126] {strides = array<i32>} : memref<16384xf32, #tpu.memory_space<vmem>>, vector<16xf32>,
        tpu.vector_store %arg12[%parallel_loop3A_126], %parallel_loop3A_123 {strides = array<i32>} : memref<16384xf32, #tpu.memory_space<vmem>>, vector<16xf32>,
        %parallel_loop3A_128 = arith.constant 8192 : i32
        %parallel_loop3A_129 = vector.broadcast %parallel_loop3A_128 : i32 to vector<16xi32>
        %parallel_loop3A_130 = arith.addi %parallel_loop3A_93, %parallel_loop3A_129 : vector<16xi32>
        %parallel_loop3A_131 = tpu.vector_load_idx %arg10[%parallel_loop3A_130] : memref<16384xf32, #tpu.memory_space<vmem>>[vector<16xi32>], vector<16xf32>,
        %parallel_loop3A_132 = arith.constant 8192 : i32
        %parallel_loop3A_133 = arith.addi %parallel_loop3A_132, %parallel_loop3A_95 : i32
        %parallel_loop3A_134 = arith.index_cast %parallel_loop3A_133 : i32 to index
        %parallel_loop3A_135 = tpu.vector_load %arg12[%parallel_loop3A_134] {strides = array<i32>} : memref<16384xf32, #tpu.memory_space<vmem>>, vector<16xf32>,
        tpu.vector_store %arg12[%parallel_loop3A_134], %parallel_loop3A_131 {strides = array<i32>} : memref<16384xf32, #tpu.memory_space<vmem>>, vector<16xf32>,
        %parallel_loop3A_136 = arith.constant 10240 : i32
        %parallel_loop3A_137 = vector.broadcast %parallel_loop3A_136 : i32 to vector<16xi32>
        %parallel_loop3A_138 = arith.addi %parallel_loop3A_93, %parallel_loop3A_137 : vector<16xi32>
        %parallel_loop3A_139 = tpu.vector_load_idx %arg10[%parallel_loop3A_138] : memref<16384xf32, #tpu.memory_space<vmem>>[vector<16xi32>], vector<16xf32>,
        %parallel_loop3A_140 = arith.constant 10240 : i32
        %parallel_loop3A_141 = arith.addi %parallel_loop3A_140, %parallel_loop3A_95 : i32
        %parallel_loop3A_142 = arith.index_cast %parallel_loop3A_141 : i32 to index
        %parallel_loop3A_143 = tpu.vector_load %arg12[%parallel_loop3A_142] {strides = array<i32>} : memref<16384xf32, #tpu.memory_space<vmem>>, vector<16xf32>,
        tpu.vector_store %arg12[%parallel_loop3A_142], %parallel_loop3A_139 {strides = array<i32>} : memref<16384xf32, #tpu.memory_space<vmem>>, vector<16xf32>,
        %parallel_loop3A_144 = arith.constant 12288 : i32
        %parallel_loop3A_145 = vector.broadcast %parallel_loop3A_144 : i32 to vector<16xi32>
        %parallel_loop3A_146 = arith.addi %parallel_loop3A_93, %parallel_loop3A_145 : vector<16xi32>
        %parallel_loop3A_147 = tpu.vector_load_idx %arg10[%parallel_loop3A_146] : memref<16384xf32, #tpu.memory_space<vmem>>[vector<16xi32>], vector<16xf32>,
        %parallel_loop3A_148 = arith.constant 12288 : i32
        %parallel_loop3A_149 = arith.addi %parallel_loop3A_148, %parallel_loop3A_95 : i32
        %parallel_loop3A_150 = arith.index_cast %parallel_loop3A_149 : i32 to index
        %parallel_loop3A_151 = tpu.vector_load %arg12[%parallel_loop3A_150] {strides = array<i32>} : memref<16384xf32, #tpu.memory_space<vmem>>, vector<16xf32>,
        tpu.vector_store %arg12[%parallel_loop3A_150], %parallel_loop3A_147 {strides = array<i32>} : memref<16384xf32, #tpu.memory_space<vmem>>, vector<16xf32>,
        %parallel_loop3A_152 = arith.constant 14336 : i32
        %parallel_loop3A_153 = vector.broadcast %parallel_loop3A_152 : i32 to vector<16xi32>
        %parallel_loop3A_154 = arith.addi %parallel_loop3A_93, %parallel_loop3A_153 : vector<16xi32>
        %parallel_loop3A_155 = tpu.vector_load_idx %arg10[%parallel_loop3A_154] : memref<16384xf32, #tpu.memory_space<vmem>>[vector<16xi32>], vector<16xf32>,
        %parallel_loop3A_156 = arith.constant 14336 : i32
        %parallel_loop3A_157 = arith.addi %parallel_loop3A_156, %parallel_loop3A_95 : i32
        %parallel_loop3A_158 = arith.index_cast %parallel_loop3A_157 : i32 to index
        %parallel_loop3A_159 = tpu.vector_load %arg12[%parallel_loop3A_158] {strides = array<i32>} : memref<16384xf32, #tpu.memory_space<vmem>>, vector<16xf32>,
        tpu.vector_store %arg12[%parallel_loop3A_158], %parallel_loop3A_155 {strides = array<i32>} : memref<16384xf32, #tpu.memory_space<vmem>>, vector<16xf32>,
      } {sc.loop_unroll_factor = 4 : i64, sc.parallel_access}
      %mul3A_77 = arith.constant 16384 : i32
      %mul3A_78 = arith.muli %add3A_63, %mul3A_77 : i32
      %add3A_79 = arith.addi %mul3A_2, %mul3A_78 : i32
      %dma_start3A_80 = tpu.memref_slice %arg5[%add3A_79] : memref<67108864xf32, #tpu.memory_space<hbm>> -> memref<16384xf32, #tpu.memory_space<hbm>>
      %dma_start3A_81 = tpu.memref_slice %arg5[%add3A_79] : memref<67108864xf32, #tpu.memory_space<hbm>> -> memref<16384xf32, #tpu.memory_space<hbm>>
      tpu.enqueue_dma source(%arg12 : memref<16384xf32, #tpu.memory_space<vmem>>) target(%dma_start3A_81 : memref<16384xf32, #tpu.memory_space<hbm>>) target_semaphore(%arg16 : memref<!tpu.dma_semaphore, #tpu.memory_space<semaphore_mem>>)
      %add3A_82 = arith.constant 2 : i32
      %add3A_83 = arith.addi %add3A_63, %add3A_82 : i32
      %lt3A_84 = arith.constant 128 : i32
      %lt3A_85 = arith.cmpi slt, %add3A_83, %lt3A_84 : i32
      %convert_element_type3A_86 = arith.extui %lt3A_85 : i1 to i32
      %cond3A_87 = arith.constant 0 : i32
      %cond3A_88 = arith.cmpi ne, %convert_element_type3A_86, %cond3A_87 : i32
      scf.if %cond3A_88 {
        %add3A_89 = arith.constant 2 : i32
        %add3A_90 = arith.addi %add3A_63, %add3A_89 : i32
        %mul3A_91 = arith.constant 16384 : i32
        %mul3A_92 = arith.muli %add3A_90, %mul3A_91 : i32
        %add3A_93 = arith.addi %mul3A_2, %mul3A_92 : i32
        %dma_start3A_94 = tpu.memref_slice %arg2[%add3A_93] : memref<67108864xf32, #tpu.memory_space<hbm>> -> memref<16384xf32, #tpu.memory_space<hbm>>
        %dma_start3A_95 = tpu.memref_slice %arg2[%add3A_93] : memref<67108864xf32, #tpu.memory_space<hbm>> -> memref<16384xf32, #tpu.memory_space<hbm>>
        tpu.enqueue_dma source(%dma_start3A_95 : memref<16384xf32, #tpu.memory_space<hbm>>) target(%arg10 : memref<16384xf32, #tpu.memory_space<vmem>>) target_semaphore(%arg14 : memref<!tpu.dma_semaphore, #tpu.memory_space<semaphore_mem>>)
      } else {
      }
    }
    %scan3A_24 = arith.constant 64 : i32
    %add3A_25 = arith.constant 2064384 : i32
    %add3A_26 = arith.addi %mul3A_2, %add3A_25 : i32
    %dma_wait3A = tpu.memref_slice %arg5[%add3A_26] : memref<67108864xf32, #tpu.memory_space<hbm>> -> memref<16384xf32, #tpu.memory_space<hbm>>
    %dma_wait3A_27 = tpu.memref_slice %arg5[%add3A_26] : memref<67108864xf32, #tpu.memory_space<hbm>> -> memref<16384xf32, #tpu.memory_space<hbm>>
    tpu.wait_dma2 semaphore(%arg15 : memref<!tpu.dma_semaphore, #tpu.memory_space<semaphore_mem>>) src(%arg11 : memref<16384xf32, #tpu.memory_space<vmem>>) dst(%dma_wait3A_27 : memref<16384xf32, #tpu.memory_space<hbm>>)
    %add3A_28 = arith.constant 2080768 : i32
    %add3A_29 = arith.addi %mul3A_2, %add3A_28 : i32
    %dma_wait3A_30 = tpu.memref_slice %arg5[%add3A_29] : memref<67108864xf32, #tpu.memory_space<hbm>> -> memref<16384xf32, #tpu.memory_space<hbm>>
    %dma_wait3A_31 = tpu.memref_slice %arg5[%add3A_29] : memref<67108864xf32, #tpu.memory_space<hbm>> -> memref<16384xf32, #tpu.memory_space<hbm>>
    tpu.wait_dma2 semaphore(%arg16 : memref<!tpu.dma_semaphore, #tpu.memory_space<semaphore_mem>>) src(%arg12 : memref<16384xf32, #tpu.memory_space<vmem>>) dst(%dma_wait3A_31 : memref<16384xf32, #tpu.memory_space<hbm>>)
    return
  }
}

</mosaic_0001>

<sc_bundles>
// kernel: kernel.3.cloned.1.call-start
scs
__scs_entry_jumppad:
0x0: {  	(pc) =	sbr.rel $0x88, $3  }
0x1: {  	(tag) =	ssettag $0x0;
	lr =	simm.s32 $0x1  }
0x2: {  	[smem:$0x3F9E] =	sst lr;
	_ =	strace $0xD0000000  }
0x3: {  	_ = 	snop  }
0x4: {  	_ = 	snop  }
0x5: {  	_ = 	snop  }
0x6: {  	_ = 	snop  }
0x7: {  	_ = 	snop  }
__scs_overlays_trampoline_lowered:
0x8: {  	[smem:$0x3FAD] =	sst s0  }
0x9: {  	[smem:$0x3FAE] =	sst s1  }
0xa: {  	[smem:$0x3FAF] =	sst s2  }
0xb: {  	[smem:$0x3FB0] =	sst s3  }
0xc: {  	[smem:$0x3FB1] =	sst s4  }
0xd: {  	[smem:$0x3FB2] =	sst s5  }
0xe: {  	[smem:$0x3FB3] =	sst s6  }
0xf: {  	[smem:$0x3FB4] =	sst s7  }
0x10: {  	[smem:$0x3FB5] =	sst s8  }
0x11: {  	[smem:$0x3FB6] =	sst s9;
	s0 =	simm.s32 @!p0 $0x0  }
0x12: {  	s1 =	sld [smem:$0x3F9C];
	s0 =	simm.s32 @p0 $0x1  }
0x13: {  	[smem:$0x3FB7] =	sst s0;
	s0 =	simm.s32 @!p1 $0x0  }
0x14: {  	s2 =	sld [smem:$0x3F9B];
	s0 =	simm.s32 @p1 $0x1  }
0x15: {  	[smem:$0x3FB8] =	sst s0;
	s0 =	simm.s32 @!p2 $0x0  }
0x16: {  	s3 =	sld [smem:$0x3FDB];
	s0 =	simm.s32 @p2 $0x1  }
0x17: {  	s4 =	simm.s32 $0x1BF5;
	[smem:$0x3FBA] =	sst s0  }
0x18: {  	s0 =	sld [smem:$0x3F9D];
	_ =	swait.ge [sflag:s4], $0x0  }
0x19: {  	s7 =	sld [smem:$0x3F9E]  }
0x1a: {  	s8 =	sadd.s32 $0xFFFFE003, lr  }
0x1b: {  	s9 =	sadd.s32 $0xFFFFFEF7, lr;
	s5 =	simm.s32 $0xFFFFFFFF;
	p2 =	slt.u32 s8, $0xFFFFF086  }
0x1c: {  	p1 =	slt.u32 s9, $0xF7A;
	s5 =	simm.s32 @!p2 $0x0  }
0x1d: {  	s5 =	simm.s32 @p1 $0x1;
	p0 =	seq.s32 s7, s2  }
0x1e: {  	s7 =	smul.u32 @!p0 $0xF7A, s2;
	p2 =	seq.s32 @!p0 s5, $0x0  }
0x1f: {  	s9 =	smul.u32 $0xF7A, s1;
	s8 =	simm.s32 @!p0 $0x1BF5;
	p2 =	por !p2, p0  }
0x20: {  	[sflag:s8] =	ssyncset.s32 @!p0 $0xFFFFF086;
	s6 =	sadd.s32 @!p0 s3, s7;
	s7 =	simm.s32 @!p0 $0x108  }
0x21: {  	s3 =	sadd.s32 s3, s9;
	s6 =	sadd.s32 @!p0 $0x88, s6;
	s7 =	simm.s32 @p2 $0x1082  }
0x22: {  	[simem:s7], [sflag:s8] =	dma.local @!p0 [hbm:s6], $0xF7A  }
0x23: {  	s9 =	sor.u32 $0xD0000000, s2;
	s6 =	simm.s32 $0x108;
	_ =	swait.ge @!p0 [sflag:s8], $0x0  }
0x24: {  	s3 =	sadd.s32 $0x88, s3;
	s6 =	simm.s32 @!p1 $0x1082;
	[sflag:s4] =	ssyncset.s32 $0xFFFFF086  }
0x25: {  	[simem:s6], [sflag:s4] =	dma.local [hbm:s3], $0xF7A  }
0x26: {  	[smem:$0x3F9E] =	sst s1;
	(tag) =	ssettag s2;
	_ =	strace s9  }
0x27: {  	s1 =	sld [smem:$0x3FAE]  }
0x28: {  	s2 =	sld [smem:$0x3FAF]  }
0x29: {  	s4 =	sld [smem:$0x3FB1]  }
0x2a: {  	p0 =	seq.s32 s5, $0x0;
	s5 =	sld [smem:$0x3FB2]  }
0x2b: {  	s6 =	sld [smem:$0x3FB3]  }
0x2c: {  	s7 =	sld [smem:$0x3FB4]  }
0x2d: {  	s3 =	simm.s32 $0x108;
	s8 =	sld [smem:$0x3FB5]  }
0x2e: {  	s3 =	simm.s32 @!p0 $0x1082;
	s9 =	sld [smem:$0x3FB6]  }
0x2f: {  	lr =	sadd.s32 s0, s3;
	s0 =	sld [smem:$0x3FAD]  }
0x30: {  	s3 =	sld [smem:$0x3FB0]  }
0x31: {  	[smem:$0x3FB9] =	sst s10  }
0x32: {  	s10 =	sld [smem:$0x3FB7];
	_ =	sdelay $0x3  }
0x33: {  	p0 =	seq.s32 s10, $0x1;
	s10 =	sld [smem:$0x3FB9];
	_ =	sdelay $0x3  }
0x34: {  	[smem:$0x3FB9] =	sst s10  }
0x35: {  	s10 =	sld [smem:$0x3FB8];
	_ =	sdelay $0x3  }
0x36: {  	p1 =	seq.s32 s10, $0x1;
	s10 =	sld [smem:$0x3FB9];
	_ =	sdelay $0x3  }
0x37: {  	[smem:$0x3FB9] =	sst s10  }
0x38: {  	s10 =	sld [smem:$0x3FBA]  }
0x39: {  	_ = 	snop;
	(pc) =	sbr.ind lr, $3  }
0x3a: {  	_ = 	snop  }
0x3b: {  	_ = 	snop  }
0x3c: {  	p2 =	seq.s32 s10, $0x1;
	s10 =	sld [smem:$0x3FB9]  }
0x3d: {  	_ =	shalt  }
0x3e: {  	_ =	shalt  }
0x3f: {  	_ =	shalt  }
0x40: {  	_ =	shalt  }
0x41: {  	_ =	shalt  }
0x42: {  	_ =	shalt  }
0x43: {  	_ =	shalt  }
0x44: {  	_ =	shalt  }
0x45: {  	_ =	shalt  }
0x46: {  	_ =	shalt  }
0x47: {  	_ =	shalt  }
0x48: {  	_ =	shalt  }
0x49: {  	_ =	shalt  }
0x4a: {  	_ =	shalt  }
0x4b: {  	_ =	shalt  }
0x4c: {  	_ =	shalt  }
0x4d: {  	_ =	shalt  }
0x4e: {  	_ =	shalt  }
0x4f: {  	_ =	shalt  }
0x50: {  	_ =	shalt  }
0x51: {  	_ =	shalt  }
0x52: {  	_ =	shalt  }
0x53: {  	_ =	shalt  }
0x54: {  	_ =	shalt  }
0x55: {  	_ =	shalt  }
0x56: {  	_ =	shalt  }
0x57: {  	_ =	shalt  }
0x58: {  	_ =	shalt  }
0x59: {  	_ =	shalt  }
0x5a: {  	_ =	shalt  }
0x5b: {  	_ =	shalt  }
0x5c: {  	_ =	shalt  }
0x5d: {  	_ =	shalt  }
0x5e: {  	_ =	shalt  }
0x5f: {  	_ =	shalt  }
0x60: {  	_ =	shalt  }
0x61: {  	_ =	shalt  }
0x62: {  	_ =	shalt  }
0x63: {  	_ =	shalt  }
0x64: {  	_ =	shalt  }
0x65: {  	_ =	shalt  }
0x66: {  	_ =	shalt  }
0x67: {  	_ =	shalt  }
0x68: {  	_ =	shalt  }
0x69: {  	_ =	shalt  }
0x6a: {  	_ =	shalt  }
0x6b: {  	_ =	shalt  }
0x6c: {  	_ =	shalt  }
0x6d: {  	_ =	shalt  }
0x6e: {  	_ =	shalt  }
0x6f: {  	_ =	shalt  }
0x70: {  	_ =	shalt  }
0x71: {  	_ =	shalt  }
0x72: {  	_ =	shalt  }
0x73: {  	_ =	shalt  }
0x74: {  	_ =	shalt  }
0x75: {  	_ =	shalt  }
0x76: {  	_ =	shalt  }
0x77: {  	_ =	shalt  }
0x78: {  	_ =	shalt  }
0x79: {  	_ =	shalt  }
0x7a: {  	_ =	shalt  }
0x7b: {  	_ =	shalt  }
0x7c: {  	_ =	shalt  }
0x7d: {  	_ =	shalt  }
0x7e: {  	_ =	shalt  }
0x7f: {  	_ =	shalt  }
0x80: {  	_ =	shalt  }
0x81: {  	_ =	shalt  }
0x82: {  	_ =	shalt  }
0x83: {  	_ =	shalt  }
0x84: {  	_ =	shalt  }
0x85: {  	_ =	shalt  }
0x86: {  	_ =	shalt  }
0x87: {  	_ =	shalt  }
.Lfunc_end0:
.L_simem_size_0:
called_computation.1_lowered:
.L_overlay_start_0:
0x88: {  	s2 =	sld [smem:$0x3FD9]  }
0x89: {  	s3 =	sld [smem:$0x3FFE];
	_ =	sdelay $0x1  }
0x8a: {  	s1 =	srdreg.scid  }
0x8b: {  	s0 =	sand.u32 $0x1, s1  }
0x8c: {  	s17 =	sshll.u32 s0, $0xA;
	s2 =	sadd.s32 s3, s2  }
0x8d: {  	s2 =	sadd.s32 s2, s17  }
0x8e: {  	[smem:$0x3FC5] =	sst s2  }
0x8f: {  	_ = 	snop  }
0x90: {  	s2 =	sld [smem:$0x3FC8]  }
0x91: {  	s18 =	sld [smem:$0x3FD0];
	(tm) =	ssettm $0x1  }
0x92: {  	s4 =	sld [smem:$0x3FFB];
	_ =	sdelay $0x3  }
0x93: {  	_ =	strace s4  }
0x94: {  	s4 =	sld [smem:$0x3FFC];
	_ =	sdelay $0x3  }
0x95: {  	_ =	strace s4  }
0x96: {  	s4 =	sld [smem:$0x3FFD];
	_ =	sdelay $0x3  }
0x97: {  	_ =	strace s4  }
0x98: {  	_ =	strace $0x8FFFFFFF  }
0x99: {  	s19 =	sld [smem:$0x3FDB];
	_ =	sdelay $0x1  }
0x9a: {  	s5 =	simm.s32 $_scs_section_size  }
0x9b: {  	s6 =	simm.s32 $_size__tile_overlayer_lowered;
	s7 =	simm.s32 $_tile_overlayer_lowered  }
0x9c: {  	s22 =	simm.s32 $0x1BFF;
	s21 =	sshll.u32 s7, $0x1;
	s4 =	sadd.s32 s5, s19  }
0x9d: {  	s8 =	simm.s32 $0x0;
	s20 =	sshll.u32 s6, $0x1;
	s6 =	sadd.s32 s21, s4  }
0x9e: {  	[timem:s8], [sflag:s22] =	dma.local [hbm:s6], s20  }
0x9f: {  	_ =	swait.ge [sflag:s22], s20  }
0xa0: {  	s5 =	ssub.s32 $0x0, s20;
	[sflag:s22] =	ssyncset.done $0x0  }
0xa1: {  	[sflag:s22] =	ssyncadd.s32 s5;
	_ =	sdelay $0x1  }
0xa2: {  	s23 =	simm.s32 $0x1B8B  }
0xa3: {  	_ =	swait.ge [sflag:s23], $0x1  }
0xa4: {  	[sflag:s23] =	ssyncset.done $0x0  }
0xa5: {  	s25 =	simm.s32 $0x1B8E;
	s24 =	sld [smem:$0x3FFE];
	[sflag:s23] =	ssyncadd.s32 $0xFFFFFFFF  }
0xa6: {  	s26 =	simm.s32 $execute0_lowered;
	[smem:$0x3FD2] =	sst s25  }
0xa7: {  	s6 =	sshll.u32 s26, $0x1;
	_ =	strace $0x80000049;
	[dreg:$0x1] =	wrdreg $0xFFFFFFFF  }
0xa8: {  	s28 =	simm.s32 $_size_execute0_lowered;
	s4 =	sadd.s32 s4, s6;
	[dreg:$0x0] =	wrdreg $0x0  }
0xa9: {  	s6 =	sshll.u32 s28, $0x1;
	[dreg:$0x2] =	wrdreg s4  }
0xaa: {  	[dreg:$0x3] =	wrdreg s6  }
0xab: {  	[dreg:$0x4] =	wrdreg $0xC0  }
0xac: {  	_ =	task [dreg:s8], $0x5FFFF  }
0xad: {  	[dreg:$0x1] =	wrdreg $0xFFFFFFFF  }
0xae: {  	[dreg:$0x0] =	wrdreg $0x60  }
0xaf: {  	[dreg:$0x2] =	wrdreg s18  }
0xb0: {  	[dreg:$0x3] =	wrdreg s2  }
0xb1: {  	[dreg:$0x4] =	wrdreg s24  }
0xb2: {  	[dreg:$0x5] =	wrdreg $0x9  }
0xb3: {  	_ =	task.clear_ibuf [dreg:s8], $0x6FFFF;
	_ =	strace $0x90000049  }
0xb4: {  	s29 =	simm.s32 $0x9;
	_ =	strace $0x8000004B  }
0xb5: {  	_ =	swait.ge [sflag:s29], $0x1  }
0xb6: {  	[sflag:s29] =	ssyncadd.s32 $0xFFFFFFFF  }
0xb7: {  	_ =	strace $0x9000004B  }
0xb8: {  	_ =	sfence  }
0xb9: {  	s30 =	sld [smem:$0x0];
	_ =	sdelay $0x2  }
0xba: {  	s31 =	sshll.u32 s1, $0xD;
	s1 =	sshrl.u32 s1, $0x2  }
0xbb: {  	s3 =	sand.u32 $0x4000, s31;
	s1 =	sadd.s32 s1, s30  }
0xbc: {  	s0 =	sor.u32 s3, s0;
	s1 =	sshll.u32 s1, $0x11  }
0xbd: {  	s0 =	sor.u32 s1, s0  }
0xbe: {  	s0 =	sadd.s32 $0x8F2B, s0  }
0xbf: {  	[sflag:s0] =	ssyncadd.remote.s32 $0x1  }
0xc0: {  	_ =	sfence.sel $0xFFFF  }
0xc1: {  	[dreg:$0x0] =	wrdreg $0xFFFFFFFF;
	(pc) =	sbr.abs _section_cstart, $3  }
0xc2: {  	[dreg:$0x1] =	wrdreg $0xFFFFFFFF  }
0xc3: {  	_ =	task.clear_ibuf [dreg:s8], $0x2FFFF;
	_ =	strace $0x9FFFFFFF  }
0xc4: {  	(tm) =	ssettm $0x7FFFFFFF  }
0xc5: {  	_ =	shalt  }
tec
execute0_lowered:
.L_overlay_start_1:
0x0: {  	(tag) =	ssettag $0x1  }
0x1: {  	s1 =	rddreg [dreg:$0x0]  }
0x2: {  	s0 =	rddreg [dreg:$0x2];
	s2 =	srdreg.scid;
	s4 =	simm.s32 $0x0  }
0x3: {  	s3 =	stileid.u32;
	s13 =	simm.s32 $0x5;
	s15 =	simm.s32 $0x1080  }
0x4: {  	s16 =	simm.s32 $0x5080;
	s17 =	simm.s32 $0x1;
	s18 =	simm.s32 $0x9080  }
0x5: {  	s19 =	simm.s32 $0x2;
	s20 =	simm.s32 $0x4;
	s21 =	simm.s32 $0xD080  }
0x6: {  	s22 =	simm.s32 $0x3;
	s23 =	simm.s32 $0x0;
	s24 =	simm.s32 $0x0  }
0x7: {  	s2 =	sand.u32 $0x1, s2;
	[smem:$0x7FF] =	sst s4;
	s3 =	sshll.u32 s3, $0x16  }
.Ltmp0:
0x8: {  	s6 =	sadd.s32 $0x800, s0;
	s5 =	sshll.u32 s2, $0x15;
	(pc) =	sbr.rel .LBB2_1-.Ltmp0, $4  }
0x9: {  	s7 =	sadd.s32 $0xA00, s0;
	s2 =	ssub.s32 $0x2, s2;
	s5 =	sor.u32 s5, s3  }
0xa: {  	_ =	strace $0x8000004A;
	s30 =	sshrl.u32 s2, $0x1;
	s8 =	sshrl.u32 s5, $0x3  }
0xb: {  	s31 =	ssub.s32 s2, s30;
	s10 =	sor.u32 $0x8000, s5;
	s8 =	sadd.s32 s1, s8  }
0xc: {  	v0 =	vlaneseq.u32;
	s11 =	sor.u32 $0xC000, s5;
	s12 =	smax.u32 s31, $0x1;
	s9 =	sadd.s32 $0x800, s8  }
.LBB2_14:
0xd: {  	s23 =	sadd.s32 $0x1, s23  }
0xe: {  	_ =	swait.ge [sflag:s22], $0x4000;
	p0 =	sne.s32 s23, s12  }
.Ltmp1:
0xf: {  	[sflag:s22] =	ssyncset.done $0x0;
	(pc) =	sbr.rel @!p0 .LBB2_15-.Ltmp1, $4  }
0x10: {  	[sflag:s22] =	ssyncadd.s32 $0xFFFFC000  }
0x11: {  	_ =	swait.ge [sflag:s20], $0x4000  }
0x12: {  	[sflag:s20] =	ssyncset.done $0x0  }
0x13: {  	[sflag:s20] =	ssyncadd.s32 $0xFFFFC000  }
.LBB2_1:
0x14: {  	s0 =	rddreg [dreg:$0x1]  }
0x15: {  	[tilespmem:s4], [sflag:$0x5] =	stream.linear.gather [hbm4b:s0+s4], $0x800, $0x38;
	[tilespmem:$0x11080] =	vst v63  }
0x16: {  	_ =	swait.ge [sflag:s13], $0x800  }
0x17: {  	[sflag:s13] =	ssyncset.done $0x0  }
0x18: {  	s30 =	simm.s32 $0x1000;
	[sflag:s13] =	ssyncadd.s32 $0xFFFFF800  }
0x19: {  	[tilespmem:s30], [sflag:$0x5] =	stream.linear.gather [hbm4b:s6+s4], $0x80, $0x38;
	[tilespmem:$0x11080] =	vst v63  }
0x1a: {  	_ =	swait.ge [sflag:s13], $0x80  }
0x1b: {  	[sflag:s13] =	ssyncset.done $0x0  }
0x1c: {  	[sflag:s13] =	ssyncadd.s32 $0xFFFFFF80  }
0x1d: {  	v1 =	vld [tilespmem:$0x1000];
	_ =	sdelay $0x4  }
0x1e: {  	v1 =	vadd.s32 v0, v1  }
0x1f: {  	v2 =	vadd.s32 s4, v1  }
0x20: {  	v2 =	vand.u32 $0x7FF, v2;
	_ =	sdelay $0x2  }
0x21: {  	s31 =	simm.s32 $0x10  }
0x22: {  	v3 =	vadd.s32 s31, v1  }
0x23: {  	v3 =	vand.u32 $0x7FF, v3;
	v2 =	vld.idx.msk [tilespmem:v2+s4+$0x0], $0xffff;
	_ =	sdelay $0x3  }
0x24: {  	s2 =	simm.s32 $0x20;
	s0 =	simm.s32 $0x800  }
.LBB2_2:
0x25: {  	v4 =	vadd.s32 s2, v1;
	p0 =	sne.s32 s2, $0x7F0;
	s2 =	sadd.s32 $0x10, s2;
	[tilespmem:s0+$0x0] =	vst v2;
	v2 =	vld.idx.msk [tilespmem:v3+s4+$0x0], $0xffff  }
.Ltmp2:
0x26: {  	v3 =	vand.u32 $0x7FF, v4;
	(pc) =	sbr.rel @p0 .LBB2_2-.Ltmp2, $2  }
0x27: {  	_ =	sdelay $0x2  }
0x28: {  	s0 =	sadd.s32 $0x10, s0  }
0x29: {  	_ =	sdelay $0x3  }
0x2a: {  	v1 =	vld.idx.msk [tilespmem:v3+s4+$0x0], $0xffff;
	_ =	sdelay $0x3  }
0x2b: {  	[tilespmem:s0+$0x0] =	vst v2;
	s31 =	sadd.s32 $0x10, s0  }
0x2c: {  	[tilespmem:s31+$0x0] =	vst v1  }
0x2d: {  	[tilespmem:s15], [sflag:$0x1] =	stream.linear.gather [hbm4b:s8+s24], $0x4000, $0x38;
	[tilespmem:$0x11080] =	vst v63  }
0x2e: {  	s25 =	simm.s32 $0x0  }
0x2f: {  	[tilespmem:s16], [sflag:$0x2] =	stream.linear.gather [hbm4b:s9+s24], $0x4000, $0x38;
	[tilespmem:$0x11080] =	vst v63  }
.LBB2_4:
0x30: {  	_ =	swait.ge [sflag:s17], $0x4000  }
0x31: {  	p0 =	seq.s32 s25, $0x0;
	[sflag:s17] =	ssyncset.done $0x0  }
0x32: {  	s0 =	simm.s32 @!p0 $0x3;
	[sflag:s17] =	ssyncadd.s32 $0xFFFFC000  }
0x33: {  	_ =	swait.ge @!p0 [sflag:s0], $0x4000  }
0x34: {  	[sflag:s0] =	ssyncset.done @!p0 $0x0  }
0x35: {  	s14 =	simm.s32 $0x820;
	[sflag:s0] =	ssyncadd.s32 @!p0 $0xFFFFC000  }
0x36: {  	v3 =	vld [tilespmem:s14+$0x10]  }
0x37: {  	v2 =	vld [tilespmem:s14+$0x0]  }
0x38: {  	v5 =	vld [tilespmem:s14+$0xFFFFFFE0]  }
0x39: {  	v4 =	vld [tilespmem:s14+$0xFFFFFFF0];
	_ =	sdelay $0x4  }
0x3a: {  	v1 =	vld.idx.msk [tilespmem:v3+s15+$0x0], $0xffff  }
0x3b: {  	v6 =	vadd.s32 $0x800, v3;
	v9 =	vld.idx.msk [tilespmem:v2+s15+$0x0], $0xffff  }
0x3c: {  	v10 =	vadd.s32 $0x800, v2;
	v11 =	vld.idx.msk [tilespmem:v5+s15+$0x0], $0xffff  }
0x3d: {  	v12 =	vadd.s32 $0x800, v5;
	v7 =	vld.idx.msk [tilespmem:v4+s15+$0x0], $0xffff  }
0x3e: {  	s28 =	simm.s32 $0xB090;
	v8 =	vadd.s32 $0x800, v4  }
0x3f: {  	[tilespmem:s28+$0xFFFFE020] =	vst v1  }
0x40: {  	[tilespmem:s28+$0xFFFFE010] =	vst v9;
	v1 =	vld.idx.msk [tilespmem:v6+s15+$0x0], $0xffff  }
0x41: {  	[tilespmem:s28+$0xFFFFDFF0] =	vst v11;
	v6 =	vadd.s32 $0x1000, v3;
	v9 =	vld.idx.msk [tilespmem:v10+s15+$0x0], $0xffff  }
0x42: {  	[tilespmem:s28+$0xFFFFE000] =	vst v7;
	v10 =	vadd.s32 $0x1000, v2;
	v11 =	vld.idx.msk [tilespmem:v12+s15+$0x0], $0xffff  }
0x43: {  	v7 =	vld.idx.msk [tilespmem:v8+s15+$0x0], $0xffff;
	v12 =	vadd.s32 $0x1000, v5  }
0x44: {  	v8 =	vadd.s32 $0x1000, v4  }
0x45: {  	[tilespmem:s28+$0xFFFFE820] =	vst v1  }
0x46: {  	s14 =	sand.u32 $0x7C0, s24;
	[tilespmem:s28+$0xFFFFE810] =	vst v9;
	v1 =	vld.idx.msk [tilespmem:v6+s15+$0x0], $0xffff  }
0x47: {  	[tilespmem:s14+$0x9880] =	vst v11;
	v6 =	vadd.s32 $0x1800, v3;
	v9 =	vld.idx.msk [tilespmem:v10+s15+$0x0], $0xffff  }
0x48: {  	[tilespmem:s28+$0xFFFFE800] =	vst v7;
	v10 =	vadd.s32 $0x1800, v2;
	v11 =	vld.idx.msk [tilespmem:v12+s15+$0x0], $0xffff  }
0x49: {  	v7 =	vld.idx.msk [tilespmem:v8+s15+$0x0], $0xffff;
	v12 =	vadd.s32 $0x1800, v5  }
0x4a: {  	s26 =	simm.s32 $0x860;
	v8 =	vadd.s32 $0x1800, v4  }
0x4b: {  	[tilespmem:s28+$0xFFFFF020] =	vst v1;
	v1 =	vld [tilespmem:s26+$0x10]  }
0x4c: {  	[tilespmem:s28+$0xFFFFF010] =	vst v9;
	v6 =	vld.idx.msk [tilespmem:v6+s15+$0x0], $0xffff  }
0x4d: {  	[tilespmem:s14+$0xA080] =	vst v11;
	v9 =	vld.idx.msk [tilespmem:v10+s15+$0x0], $0xffff  }
0x4e: {  	[tilespmem:s28+$0xFFFFF000] =	vst v7;
	v7 =	vadd.s32 $0x2000, v3;
	v10 =	vld.idx.msk [tilespmem:v12+s15+$0x0], $0xffff  }
0x4f: {  	v8 =	vld.idx.msk [tilespmem:v8+s15+$0x0], $0xffff  }
0x50: {  	v11 =	vadd.s32 $0x2000, v5  }
0x51: {  	v15 =	vld [tilespmem:s26+$0xFFFFFFF0];
	v12 =	vadd.s32 $0x2000, v2  }
0x52: {  	v20 =	vld [tilespmem:s26+$0x0];
	[tilespmem:s28+$0xFFFFF820] =	vst v6  }
0x53: {  	v6 =	vadd.s32 $0x2000, v4;
	[tilespmem:s14+$0xA880] =	vst v10;
	v7 =	vld.idx.msk [tilespmem:v7+s15+$0x0], $0xffff  }
0x54: {  	v14 =	vld [tilespmem:s26+$0xFFFFFFE0];
	v13 =	vadd.s32 $0x2800, v3;
	[tilespmem:s28+$0xFFFFF800] =	vst v8  }
0x55: {  	[tilespmem:s28+$0xFFFFF810] =	vst v9;
	v8 =	vld.idx.msk [tilespmem:v11+s15+$0x0], $0xffff  }
0x56: {  	v9 =	vld.idx.msk [tilespmem:v12+s15+$0x0], $0xffff  }
0x57: {  	v12 =	vld.idx.msk [tilespmem:v1+s15+$0x0], $0xffff  }
0x58: {  	v6 =	vld.idx.msk [tilespmem:v6+s15+$0x0], $0xffff;
	[tilespmem:s28+$0x20] =	vst v7;
	v7 =	vadd.s32 $0x2800, v5  }
0x59: {  	v11 =	vadd.s32 $0x2800, v4;
	v10 =	vld.idx.msk [tilespmem:v13+s15+$0x0], $0xffff  }
0x5a: {  	v18 =	vadd.s32 $0x800, v1;
	[tilespmem:s14+$0xB080] =	vst v8;
	v13 =	vld.idx.msk [tilespmem:v15+s15+$0x0], $0xffff  }
0x5b: {  	s29 =	simm.s32 $0xB0D0;
	v16 =	vadd.s32 $0x3000, v3;
	v17 =	vld.idx.msk [tilespmem:v20+s15+$0x0], $0xffff;
	[tilespmem:s28+$0x10] =	vst v9  }
0x5c: {  	v19 =	vld.idx.msk [tilespmem:v14+s15+$0x0], $0xffff;
	v8 =	vadd.s32 $0x800, v15;
	[tilespmem:s29+$0xFFFFE020] =	vst v12  }
0x5d: {  	v9 =	vadd.s32 $0x800, v14;
	[tilespmem:s28+$0x0] =	vst v6;
	v7 =	vld.idx.msk [tilespmem:v7+s15+$0x0], $0xffff  }
0x5e: {  	v6 =	vadd.s32 $0x800, v20;
	v11 =	vld.idx.msk [tilespmem:v11+s15+$0x0], $0xffff;
	[tilespmem:s28+$0x820] =	vst v10  }
0x5f: {  	v10 =	vadd.s32 $0x2800, v2;
	[tilespmem:s29+$0xFFFFE000] =	vst v13;
	v13 =	vld.idx.msk [tilespmem:v18+s15+$0x0], $0xffff  }
0x60: {  	[tilespmem:s29+$0xFFFFE010] =	vst v17;
	v12 =	vld.idx.msk [tilespmem:v16+s15+$0x0], $0xffff;
	v16 =	vadd.s32 $0x3000, v5  }
0x61: {  	[tilespmem:s29+$0xFFFFDFF0] =	vst v19;
	v17 =	vadd.s32 $0x1000, v1;
	v8 =	vld.idx.msk [tilespmem:v8+s15+$0x0], $0xffff  }
0x62: {  	v3 =	vadd.s32 $0x3800, v3;
	v9 =	vld.idx.msk [tilespmem:v9+s15+$0x0], $0xffff;
	[tilespmem:s14+$0xB880] =	vst v7  }
0x63: {  	v18 =	vadd.s32 $0x1000, v15;
	v6 =	vld.idx.msk [tilespmem:v6+s15+$0x0], $0xffff;
	[tilespmem:s28+$0x800] =	vst v11  }
0x64: {  	v7 =	vadd.s32 $0x1000, v20;
	v10 =	vld.idx.msk [tilespmem:v10+s15+$0x0], $0xffff;
	[tilespmem:s29+$0xFFFFE820] =	vst v13  }
0x65: {  	v16 =	vld.idx.msk [tilespmem:v16+s15+$0x0], $0xffff;
	[tilespmem:s28+$0x1020] =	vst v12;
	v12 =	vadd.s32 $0x3000, v4  }
0x66: {  	v11 =	vadd.s32 $0x1000, v14;
	[tilespmem:s29+$0xFFFFE800] =	vst v8;
	v8 =	vld.idx.msk [tilespmem:v17+s15+$0x0], $0xffff  }
0x67: {  	s31 =	simm.s32 $0x40;
	v13 =	vadd.s32 $0x3000, v2;
	v3 =	vld.idx.msk [tilespmem:v3+s15+$0x0], $0xffff  }
0x68: {  	s30 =	sand.u32 $0x7C0, s31;
	v5 =	vadd.s32 $0x3800, v5;
	v17 =	vld.idx.msk [tilespmem:v18+s15+$0x0], $0xffff;
	[tilespmem:s29+$0xFFFFE810] =	vst v6  }
0x69: {  	[tilespmem:s30+$0x9880] =	vst v9;
	v9 =	vadd.s32 $0x1800, v15;
	v6 =	vld.idx.msk [tilespmem:v7+s15+$0x0], $0xffff  }
0x6a: {  	v7 =	vadd.s32 $0x1800, v1;
	[tilespmem:s28+$0x810] =	vst v10;
	v21 =	vld.idx.msk [tilespmem:v12+s15+$0x0], $0xffff  }
0x6b: {  	v4 =	vadd.s32 $0x3800, v4;
	v18 =	vld.idx.msk [tilespmem:v11+s15+$0x0], $0xffff;
	[tilespmem:s14+$0xC080] =	vst v16  }
0x6c: {  	v10 =	vadd.s32 $0x1800, v20;
	v22 =	vld.idx.msk [tilespmem:v13+s15+$0x0], $0xffff;
	[tilespmem:s29+$0xFFFFF020] =	vst v8  }
0x6d: {  	v24 =	vadd.s32 $0x3800, v2;
	v19 =	vadd.s32 $0x1800, v14;
	v23 =	vld.idx.msk [tilespmem:v5+s15+$0x0], $0xffff;
	[tilespmem:s29+$0xFFFFF000] =	vst v17  }
0x6e: {  	v2 =	vadd.s32 $0x3800, v14;
	v12 =	vadd.s32 $0x2000, v14;
	v13 =	vadd.s32 $0x2000, v20;
	[tilespmem:s28+$0x1820] =	vst v3;
	v16 =	vld.idx.msk [tilespmem:v9+s15+$0x0], $0xffff  }
0x6f: {  	v8 =	vadd.s32 $0x3000, v20;
	v3 =	vadd.s32 $0x3000, v14;
	v9 =	vadd.s32 $0x2800, v20;
	v17 =	vld.idx.msk [tilespmem:v7+s15+$0x0], $0xffff;
	[tilespmem:s28+$0x1000] =	vst v21  }
0x70: {  	[tilespmem:s29+$0xFFFFF010] =	vst v6;
	v7 =	vadd.s32 $0x2800, v14;
	v14 =	vld.idx.msk [tilespmem:v4+s15+$0x0], $0xffff;
	v4 =	vadd.s32 $0x3800, v20;
	v20 =	vadd.s32 $0x2000, v1  }
0x71: {  	[tilespmem:s30+$0xA080] =	vst v18;
	v18 =	vld.idx.msk [tilespmem:v10+s15+$0x0], $0xffff  }
0x72: {  	s26 =	sshll.u32 s25, $0xF;
	v11 =	vadd.s32 $0x2000, v15;
	v19 =	vld.idx.msk [tilespmem:v19+s15+$0x0], $0xffff;
	[tilespmem:s28+$0x1010] =	vst v22  }
0x73: {  	s3 =	simm.s32 $0x4;
	s2 =	simm.s32 $0x8A0;
	s0 =	sor.u32 s5, s26;
	v5 =	vadd.s32 $0x3000, v15;
	v6 =	vadd.s32 $0x3800, v15;
	v10 =	vadd.s32 $0x2800, v15;
	[tilespmem:s14+$0xC880] =	vst v23;
	v15 =	vld.idx.msk [tilespmem:v24+s15+$0x0], $0xffff  }
.LBB2_5:
0x74: {  	v21 =	vld [tilespmem:s2+$0x10];
	[tilespmem:s29+$0xFFFFF820] =	vst v17  }
0x75: {  	s3 =	sadd.s32 $0x4, s3;
	[tilespmem:s29+$0xFFFFF800] =	vst v16;
	v16 =	vld.idx.msk [tilespmem:v20+s15+$0x0], $0xffff  }
0x76: {  	p1 =	slt.u32 s3, $0x7C;
	v17 =	vld [tilespmem:s2+$0xFFFFFFF0];
	[tilespmem:s29+$0xFFFFF810] =	vst v18  }
0x77: {  	v18 =	vld [tilespmem:s2+$0x0];
	[tilespmem:s30+$0xA880] =	vst v19;
	v19 =	vadd.s32 $0x2800, v1  }
0x78: {  	v20 =	vld [tilespmem:s2+$0xFFFFFFE0];
	[tilespmem:s28+$0x1800] =	vst v14  }
0x79: {  	v14 =	vld.idx.msk [tilespmem:v12+s15+$0x0], $0xffff;
	[tilespmem:s28+$0x1810] =	vst v15;
	s28 =	smov.u32 s29  }
0x7a: {  	v15 =	vld.idx.msk [tilespmem:v11+s15+$0x0], $0xffff  }
0x7b: {  	v22 =	vadd.s32 $0x800, v17;
	v23 =	vadd.s32 $0x1000, v17;
	v24 =	vadd.s32 $0x1800, v17;
	v25 =	vld.idx.msk [tilespmem:v13+s15+$0x0], $0xffff;
	[tilespmem:s29+$0x20] =	vst v16  }
0x7c: {  	v16 =	vadd.s32 $0x800, v18;
	v26 =	vadd.s32 $0x1000, v18;
	v27 =	vadd.s32 $0x1800, v18;
	v19 =	vld.idx.msk [tilespmem:v19+s15+$0x0], $0xffff  }
0x7d: {  	v28 =	vadd.s32 $0x800, v20;
	v29 =	vadd.s32 $0x1000, v20;
	v30 =	vadd.s32 $0x1800, v20;
	v31 =	vld.idx.msk [tilespmem:v21+s15+$0x0], $0xffff  }
0x7e: {  	v33 =	vadd.s32 $0x3000, v1;
	v11 =	vadd.s32 $0x2000, v17;
	v12 =	vadd.s32 $0x2000, v20;
	v32 =	vld.idx.msk [tilespmem:v17+s15+$0x0], $0xffff  }
0x7f: {  	v36 =	vadd.s32 $0x800, v21;
	v13 =	vadd.s32 $0x2000, v18;
	v34 =	vadd.s32 $0x2800, v20;
	v35 =	vld.idx.msk [tilespmem:v18+s15+$0x0], $0xffff;
	[tilespmem:s30+$0xB080] =	vst v14  }
0x80: {  	v38 =	vadd.s32 $0x2800, v17;
	v39 =	vadd.s32 $0x2800, v18;
	v37 =	vadd.s32 $0x3000, v20;
	v14 =	vld.idx.msk [tilespmem:v20+s15+$0x0], $0xffff;
	[tilespmem:s29+$0x0] =	vst v15  }
0x81: {  	v40 =	vadd.s32 $0x3000, v18;
	v15 =	vadd.s32 $0x3800, v20;
	v20 =	vadd.s32 $0x3000, v17;
	v41 =	vld.idx.msk [tilespmem:v7+s15+$0x0], $0xffff;
	[tilespmem:s29+$0x10] =	vst v25;
	v7 =	vmovc v34  }
0x82: {  	v25 =	vadd.s32 $0x3800, v17;
	v34 =	vadd.s32 $0x3800, v18;
	s29 =	sadd.s32 $0x40, s29;
	v17 =	vld.idx.msk [tilespmem:v10+s15+$0x0], $0xffff;
	[tilespmem:s28+$0x820] =	vst v19;
	v10 =	vmov v38  }
0x83: {  	[tilespmem:s29+$0xFFFFE020] =	vst v31;
	v18 =	vld.idx.msk [tilespmem:v33+s15+$0x0], $0xffff  }
0x84: {  	[tilespmem:s29+$0xFFFFE000] =	vst v32;
	v19 =	vld.idx.msk [tilespmem:v36+s15+$0x0], $0xffff  }
0x85: {  	v31 =	vadd.s32 $0x3800, v1;
	v1 =	vmov v21;
	v22 =	vld.idx.msk [tilespmem:v22+s15+$0x0], $0xffff;
	[tilespmem:s29+$0xFFFFE010] =	vst v35  }
0x86: {  	[tilespmem:s29+$0xFFFFDFF0] =	vst v14;
	v14 =	vld.idx.msk [tilespmem:v16+s15+$0x0], $0xffff;
	v16 =	vadd.s32 $0x1000, v1  }
0x87: {  	v21 =	vld.idx.msk [tilespmem:v28+s15+$0x0], $0xffff;
	[tilespmem:s30+$0xB880] =	vst v41  }
0x88: {  	[tilespmem:s28+$0x800] =	vst v17;
	v17 =	vld.idx.msk [tilespmem:v9+s15+$0x0], $0xffff;
	v9 =	vmov v39  }
0x89: {  	v28 =	vld.idx.msk [tilespmem:v3+s15+$0x0], $0xffff;
	[tilespmem:s28+$0x1020] =	vst v18;
	v3 =	vmov v37  }
0x8a: {  	[tilespmem:s29+$0xFFFFE820] =	vst v19;
	v18 =	vld.idx.msk [tilespmem:v31+s15+$0x0], $0xffff  }
0x8b: {  	s31 =	sadd.s32 $0x40, s31;
	[tilespmem:s29+$0xFFFFE800] =	vst v22;
	v16 =	vld.idx.msk [tilespmem:v16+s15+$0x0], $0xffff  }
0x8c: {  	s14 =	sand.u32 $0x7C0, s31;
	v19 =	vld.idx.msk [tilespmem:v23+s15+$0x0], $0xffff;
	[tilespmem:s29+$0xFFFFE810] =	vst v14  }
0x8d: {  	[tilespmem:s14+$0x9880] =	vst v21;
	v14 =	vld.idx.msk [tilespmem:v26+s15+$0x0], $0xffff;
	v21 =	vadd.s32 $0x1800, v1  }
0x8e: {  	v22 =	vld.idx.msk [tilespmem:v29+s15+$0x0], $0xffff;
	[tilespmem:s28+$0x810] =	vst v17  }
0x8f: {  	[tilespmem:s30+$0xC080] =	vst v28;
	v23 =	vld.idx.msk [tilespmem:v5+s15+$0x0], $0xffff;
	v5 =	vmov v20  }
0x90: {  	v26 =	vld.idx.msk [tilespmem:v8+s15+$0x0], $0xffff;
	[tilespmem:s28+$0x1820] =	vst v18;
	v8 =	vmov v40  }
0x91: {  	[tilespmem:s29+$0xFFFFF020] =	vst v16;
	v28 =	vld.idx.msk [tilespmem:v2+s15+$0x0], $0xffff;
	v2 =	vmov v15  }
0x92: {  	[tilespmem:s29+$0xFFFFF000] =	vst v19;
	v17 =	vld.idx.msk [tilespmem:v21+s15+$0x0], $0xffff  }
.Ltmp3:
0x93: {  	v16 =	vld.idx.msk [tilespmem:v24+s15+$0x0], $0xffff;
	[tilespmem:s29+$0xFFFFF010] =	vst v14;
	(pc) =	sbr.rel @p1 .LBB2_5-.Ltmp3, $4  }
0x94: {  	v20 =	vadd.s32 $0x2000, v1;
	[tilespmem:s14+$0xA080] =	vst v22;
	v18 =	vld.idx.msk [tilespmem:v27+s15+$0x0], $0xffff  }
0x95: {  	v19 =	vld.idx.msk [tilespmem:v30+s15+$0x0], $0xffff;
	[tilespmem:s28+$0x1000] =	vst v23  }
0x96: {  	v14 =	vld.idx.msk [tilespmem:v6+s15+$0x0], $0xffff;
	[tilespmem:s28+$0x1010] =	vst v26;
	v6 =	vmov v25  }
0x97: {  	s2 =	sadd.s32 $0x40, s2;
	[tilespmem:s30+$0xC880] =	vst v28;
	v15 =	vld.idx.msk [tilespmem:v4+s15+$0x0], $0xffff;
	v4 =	vmov v34;
	s30 =	smov.u32 s14  }
0x98: {  	_ =	sdelay $0x2  }
0x99: {  	[tilespmem:s29+$0xFFFFF820] =	vst v17  }
0x9a: {  	[tilespmem:s29+$0xFFFFF800] =	vst v16;
	v17 =	vld.idx.msk [tilespmem:v20+s15+$0x0], $0xffff  }
0x9b: {  	v60 =	vadd.s32 $0x2800, v1;
	[tilespmem:s29+$0xFFFFF810] =	vst v18;
	v11 =	vld.idx.msk [tilespmem:v11+s15+$0x0], $0xffff  }
0x9c: {  	[tilespmem:s30+$0xA880] =	vst v19;
	v13 =	vld.idx.msk [tilespmem:v13+s15+$0x0], $0xffff  }
0x9d: {  	v12 =	vld.idx.msk [tilespmem:v12+s15+$0x0], $0xffff;
	_ =	sdelay $0x1  }
0x9e: {  	[tilespmem:s29+$0x20] =	vst v17  }
0x9f: {  	[tilespmem:s29+$0x0] =	vst v11;
	v16 =	vld.idx.msk [tilespmem:v60+s15+$0x0], $0xffff  }
0xa0: {  	v61 =	vadd.s32 $0x3000, v1;
	[tilespmem:s29+$0x10] =	vst v13;
	v10 =	vld.idx.msk [tilespmem:v10+s15+$0x0], $0xffff  }
0xa1: {  	[tilespmem:s30+$0xB080] =	vst v12;
	v9 =	vld.idx.msk [tilespmem:v9+s15+$0x0], $0xffff  }
0xa2: {  	v7 =	vld.idx.msk [tilespmem:v7+s15+$0x0], $0xffff;
	_ =	sdelay $0x1  }
0xa3: {  	[tilespmem:s29+$0x820] =	vst v16  }
0xa4: {  	[tilespmem:s29+$0x800] =	vst v10;
	v62 =	vld.idx.msk [tilespmem:v61+s15+$0x0], $0xffff  }
0xa5: {  	[tilespmem:s29+$0x810] =	vst v9;
	v5 =	vld.idx.msk [tilespmem:v5+s15+$0x0], $0xffff  }
0xa6: {  	v1 =	vadd.s32 $0x3800, v1;
	[tilespmem:s30+$0xB880] =	vst v7;
	v63 =	vld.idx.msk [tilespmem:v8+s15+$0x0], $0xffff  }
0xa7: {  	v3 =	vld.idx.msk [tilespmem:v3+s15+$0x0], $0xffff;
	_ =	sdelay $0x1  }
0xa8: {  	[tilespmem:s29+$0x1020] =	vst v62  }
0xa9: {  	[tilespmem:s29+$0x1000] =	vst v5  }
0xaa: {  	v1 =	vld.idx.msk [tilespmem:v1+s15+$0x0], $0xffff;
	[tilespmem:s29+$0x1010] =	vst v63  }
0xab: {  	[tilespmem:s30+$0xC080] =	vst v3;
	v3 =	vld.idx.msk [tilespmem:v6+s15+$0x0], $0xffff  }
0xac: {  	v4 =	vld.idx.msk [tilespmem:v4+s15+$0x0], $0xffff  }
0xad: {  	[tilespmem:s28+$0x1800] =	vst v14;
	v2 =	vld.idx.msk [tilespmem:v2+s15+$0x0], $0xffff  }
0xae: {  	p1 =	sne.s32 s25, $0x3F;
	[tilespmem:s28+$0x1810] =	vst v15  }
.Ltmp4:
0xaf: {  	[tilespmem:s29+$0x1820] =	vst v1;
	(pc) =	sbr.rel @p1 .LBB2_8-.Ltmp4, $4  }
0xb0: {  	[tilespmem:s29+$0x1800] =	vst v3  }
0xb1: {  	s28 =	sshrl.u32 s0, $0x3;
	[tilespmem:s29+$0x1810] =	vst v4  }
0xb2: {  	s0 =	sadd.s32 s7, s28;
	[tilespmem:s30+$0xC880] =	vst v2  }
0xb3: {  	[hbm4b:s0+s4] =	stream.linear.scatter [tilespmem:s18], [sflag:$0x3], $0x4000, $0x38;
	[tilespmem:$0x11080] =	vst v63  }
.Ltmp5:
0xb4: {  	(pc) =	sbr.rel .LBB2_9-.Ltmp5, $4  }
0xb5: {  	_ = 	snop  }
0xb6: {  	_ =	swait.ge [sflag:s19], $0x4000  }
0xb7: {  	[sflag:s19] =	ssyncset.done $0x0  }
0xb8: {  	[sflag:s19] =	ssyncadd.s32 $0xFFFFC000  }
.LBB2_8:
0xb9: {  	s0 =	sadd.s32 s26, s10  }
0xba: {  	s0 =	sshrl.u32 s0, $0x3  }
.Ltmp6:
0xbb: {  	s0 =	sadd.s32 s1, s0;
	(pc) =	sbr.rel @p0 .LBB2_10-.Ltmp6, $4  }
0xbc: {  	[tilespmem:s15], [sflag:$0x1] =	stream.linear.gather [hbm4b:s0+s4], $0x4000, $0x38;
	[tilespmem:$0x11080] =	vst v63  }
0xbd: {  	_ =	swait.ge [sflag:s19], $0x4000  }
0xbe: {  	[sflag:s19] =	ssyncset.done $0x0  }
0xbf: {  	[sflag:s19] =	ssyncadd.s32 $0xFFFFC000  }
.LBB2_9:
0xc0: {  	_ =	swait.ge [sflag:s20], $0x4000  }
0xc1: {  	[sflag:s20] =	ssyncset.done $0x0  }
0xc2: {  	[sflag:s20] =	ssyncadd.s32 $0xFFFFC000  }
.LBB2_10:
0xc3: {  	s0 =	simm.s32 $0x820  }
0xc4: {  	v3 =	vld [tilespmem:s0+$0x10]  }
0xc5: {  	v4 =	vld [tilespmem:s0+$0xFFFFFFF0]  }
0xc6: {  	v2 =	vld [tilespmem:s0+$0x0]  }
0xc7: {  	v5 =	vld [tilespmem:s0+$0xFFFFFFE0];
	_ =	sdelay $0x4  }
0xc8: {  	v1 =	vld.idx.msk [tilespmem:v3+s16+$0x0], $0xffff  }
0xc9: {  	v6 =	vadd.s32 $0x800, v3;
	v7 =	vld.idx.msk [tilespmem:v4+s16+$0x0], $0xffff  }
0xca: {  	v8 =	vadd.s32 $0x800, v4;
	v9 =	vld.idx.msk [tilespmem:v2+s16+$0x0], $0xffff  }
0xcb: {  	v10 =	vadd.s32 $0x800, v2;
	v11 =	vld.idx.msk [tilespmem:v5+s16+$0x0], $0xffff  }
0xcc: {  	s29 =	simm.s32 $0xF090;
	v12 =	vadd.s32 $0x800, v5  }
0xcd: {  	[tilespmem:s29+$0xFFFFE020] =	vst v1  }
0xce: {  	[tilespmem:s29+$0xFFFFE000] =	vst v7;
	v1 =	vld.idx.msk [tilespmem:v6+s16+$0x0], $0xffff  }
0xcf: {  	[tilespmem:s29+$0xFFFFE010] =	vst v9;
	v6 =	vadd.s32 $0x1000, v3;
	v7 =	vld.idx.msk [tilespmem:v8+s16+$0x0], $0xffff  }
0xd0: {  	[tilespmem:s29+$0xFFFFDFF0] =	vst v11;
	v8 =	vadd.s32 $0x1000, v4;
	v9 =	vld.idx.msk [tilespmem:v10+s16+$0x0], $0xffff  }
0xd1: {  	v10 =	vadd.s32 $0x1000, v2;
	v11 =	vld.idx.msk [tilespmem:v12+s16+$0x0], $0xffff  }
0xd2: {  	v12 =	vadd.s32 $0x1000, v5  }
0xd3: {  	[tilespmem:s29+$0xFFFFE820] =	vst v1  }
0xd4: {  	s2 =	simm.s32 $0x0;
	[tilespmem:s29+$0xFFFFE800] =	vst v7;
	v1 =	vld.idx.msk [tilespmem:v6+s16+$0x0], $0xffff  }
0xd5: {  	s14 =	sand.u32 $0x7C0, s2;
	[tilespmem:s29+$0xFFFFE810] =	vst v9;
	v6 =	vadd.s32 $0x1800, v3;
	v7 =	vld.idx.msk [tilespmem:v8+s16+$0x0], $0xffff  }
0xd6: {  	[tilespmem:s14+$0xD880] =	vst v11;
	v9 =	vld.idx.msk [tilespmem:v10+s16+$0x0], $0xffff  }
0xd7: {  	v10 =	vadd.s32 $0x1800, v2;
	v11 =	vld.idx.msk [tilespmem:v12+s16+$0x0], $0xffff  }
0xd8: {  	s3 =	simm.s32 $0x860;
	v12 =	vadd.s32 $0x1800, v5  }
0xd9: {  	v20 =	vld [tilespmem:s3+$0x0];
	[tilespmem:s29+$0xFFFFF020] =	vst v1  }
0xda: {  	v8 =	vadd.s32 $0x1800, v4;
	[tilespmem:s29+$0xFFFFF000] =	vst v7;
	v6 =	vld.idx.msk [tilespmem:v6+s16+$0x0], $0xffff  }
0xdb: {  	v14 =	vld [tilespmem:s3+$0xFFFFFFE0];
	v7 =	vadd.s32 $0x2000, v3;
	[tilespmem:s29+$0xFFFFF010] =	vst v9  }
0xdc: {  	[tilespmem:s14+$0xE080] =	vst v11;
	v9 =	vld.idx.msk [tilespmem:v10+s16+$0x0], $0xffff  }
0xdd: {  	v10 =	vld.idx.msk [tilespmem:v12+s16+$0x0], $0xffff;
	v12 =	vadd.s32 $0x2000, v2  }
0xde: {  	v1 =	vld [tilespmem:s3+$0x10]  }
0xdf: {  	v11 =	vadd.s32 $0x2000, v5;
	v8 =	vld.idx.msk [tilespmem:v8+s16+$0x0], $0xffff;
	[tilespmem:s29+$0xFFFFF820] =	vst v6  }
0xe0: {  	v6 =	vadd.s32 $0x2000, v4;
	v7 =	vld.idx.msk [tilespmem:v7+s16+$0x0], $0xffff  }
0xe1: {  	v15 =	vld [tilespmem:s3+$0xFFFFFFF0];
	[tilespmem:s29+$0xFFFFF810] =	vst v9  }
0xe2: {  	v13 =	vadd.s32 $0x2800, v3;
	v9 =	vld.idx.msk [tilespmem:v12+s16+$0x0], $0xffff  }
0xe3: {  	v17 =	vld.idx.msk [tilespmem:v20+s16+$0x0], $0xffff;
	[tilespmem:s14+$0xE880] =	vst v10  }
0xe4: {  	[tilespmem:s29+$0xFFFFF800] =	vst v8;
	v8 =	vld.idx.msk [tilespmem:v11+s16+$0x0], $0xffff  }
0xe5: {  	v6 =	vld.idx.msk [tilespmem:v6+s16+$0x0], $0xffff;
	[tilespmem:s29+$0x20] =	vst v7;
	v7 =	vadd.s32 $0x2800, v5  }
0xe6: {  	v19 =	vld.idx.msk [tilespmem:v14+s16+$0x0], $0xffff;
	v11 =	vadd.s32 $0x2800, v4  }
0xe7: {  	[tilespmem:s29+$0x10] =	vst v9;
	v9 =	vadd.s32 $0x800, v14;
	v10 =	vld.idx.msk [tilespmem:v13+s16+$0x0], $0xffff  }
0xe8: {  	v16 =	vadd.s32 $0x3000, v3;
	v12 =	vld.idx.msk [tilespmem:v1+s16+$0x0], $0xffff  }
0xe9: {  	v18 =	vadd.s32 $0x800, v1;
	[tilespmem:s14+$0xF080] =	vst v8;
	v13 =	vld.idx.msk [tilespmem:v15+s16+$0x0], $0xffff  }
0xea: {  	s30 =	simm.s32 $0xF0D0;
	v8 =	vadd.s32 $0x800, v15;
	[tilespmem:s29+$0x0] =	vst v6;
	v7 =	vld.idx.msk [tilespmem:v7+s16+$0x0], $0xffff  }
0xeb: {  	[tilespmem:s30+$0xFFFFDFF0] =	vst v19;
	v6 =	vadd.s32 $0x800, v20;
	v11 =	vld.idx.msk [tilespmem:v11+s16+$0x0], $0xffff  }
0xec: {  	v9 =	vld.idx.msk [tilespmem:v9+s16+$0x0], $0xffff;
	[tilespmem:s29+$0x820] =	vst v10;
	v10 =	vadd.s32 $0x2800, v2  }
0xed: {  	[tilespmem:s30+$0xFFFFE020] =	vst v12;
	v12 =	vld.idx.msk [tilespmem:v16+s16+$0x0], $0xffff;
	v16 =	vadd.s32 $0x3000, v5  }
0xee: {  	v3 =	vadd.s32 $0x3800, v3;
	[tilespmem:s30+$0xFFFFE000] =	vst v13;
	v13 =	vld.idx.msk [tilespmem:v18+s16+$0x0], $0xffff  }
0xef: {  	[tilespmem:s30+$0xFFFFE010] =	vst v17;
	v17 =	vadd.s32 $0x1000, v1;
	v8 =	vld.idx.msk [tilespmem:v8+s16+$0x0], $0xffff  }
0xf0: {  	v18 =	vadd.s32 $0x1000, v15;
	v6 =	vld.idx.msk [tilespmem:v6+s16+$0x0], $0xffff;
	[tilespmem:s14+$0xF880] =	vst v7  }
0xf1: {  	v7 =	vadd.s32 $0x1000, v20;
	[tilespmem:s29+$0x800] =	vst v11;
	v10 =	vld.idx.msk [tilespmem:v10+s16+$0x0], $0xffff  }
0xf2: {  	v16 =	vld.idx.msk [tilespmem:v16+s16+$0x0], $0xffff;
	[tilespmem:s29+$0x1020] =	vst v12;
	v12 =	vadd.s32 $0x3000, v4  }
0xf3: {  	v11 =	vadd.s32 $0x1000, v14;
	[tilespmem:s30+$0xFFFFE820] =	vst v13;
	v3 =	vld.idx.msk [tilespmem:v3+s16+$0x0], $0xffff  }
0xf4: {  	s0 =	simm.s32 $0x40;
	v13 =	vadd.s32 $0x3000, v2;
	[tilespmem:s30+$0xFFFFE800] =	vst v8;
	v8 =	vld.idx.msk [tilespmem:v17+s16+$0x0], $0xffff  }
0xf5: {  	s31 =	sand.u32 $0x7C0, s0;
	v5 =	vadd.s32 $0x3800, v5;
	v17 =	vld.idx.msk [tilespmem:v18+s16+$0x0], $0xffff;
	[tilespmem:s30+$0xFFFFE810] =	vst v6  }
0xf6: {  	[tilespmem:s31+$0xD880] =	vst v9;
	v9 =	vadd.s32 $0x1800, v15;
	v6 =	vld.idx.msk [tilespmem:v7+s16+$0x0], $0xffff  }
0xf7: {  	v7 =	vadd.s32 $0x1800, v1;
	[tilespmem:s29+$0x810] =	vst v10;
	v21 =	vld.idx.msk [tilespmem:v12+s16+$0x0], $0xffff  }
0xf8: {  	v18 =	vld.idx.msk [tilespmem:v11+s16+$0x0], $0xffff;
	[tilespmem:s29+$0x1820] =	vst v3;
	v3 =	vadd.s32 $0x3800, v4  }
0xf9: {  	v10 =	vadd.s32 $0x1800, v20;
	[tilespmem:s14+$0x10080] =	vst v16;
	v22 =	vld.idx.msk [tilespmem:v13+s16+$0x0], $0xffff  }
0xfa: {  	v24 =	vadd.s32 $0x3800, v2;
	v19 =	vadd.s32 $0x1800, v14;
	v23 =	vld.idx.msk [tilespmem:v5+s16+$0x0], $0xffff;
	[tilespmem:s30+$0xFFFFF000] =	vst v17  }
0xfb: {  	v2 =	vadd.s32 $0x3800, v14;
	[tilespmem:s30+$0xFFFFF020] =	vst v8;
	v12 =	vadd.s32 $0x2000, v14;
	v8 =	vadd.s32 $0x2800, v14;
	v16 =	vld.idx.msk [tilespmem:v9+s16+$0x0], $0xffff  }
0xfc: {  	v13 =	vadd.s32 $0x2000, v20;
	v4 =	vadd.s32 $0x3000, v14;
	v9 =	vadd.s32 $0x2800, v20;
	v17 =	vld.idx.msk [tilespmem:v7+s16+$0x0], $0xffff;
	[tilespmem:s29+$0x1000] =	vst v21  }
0xfd: {  	[tilespmem:s30+$0xFFFFF010] =	vst v6;
	v7 =	vadd.s32 $0x3000, v20;
	v14 =	vld.idx.msk [tilespmem:v3+s16+$0x0], $0xffff;
	v3 =	vadd.s32 $0x3800, v20;
	v20 =	vadd.s32 $0x2000, v1  }
0xfe: {  	[tilespmem:s31+$0xE080] =	vst v18;
	v18 =	vld.idx.msk [tilespmem:v10+s16+$0x0], $0xffff  }
0xff: {  	v11 =	vadd.s32 $0x2000, v15;
	v19 =	vld.idx.msk [tilespmem:v19+s16+$0x0], $0xffff;
	[tilespmem:s29+$0x1010] =	vst v22  }
0x100: {  	s2 =	simm.s32 $0x8A0;
	s3 =	simm.s32 $0x4;
	v5 =	vadd.s32 $0x3800, v15;
	v6 =	vadd.s32 $0x3000, v15;
	v10 =	vadd.s32 $0x2800, v15;
	[tilespmem:s14+$0x10880] =	vst v23;
	v15 =	vld.idx.msk [tilespmem:v24+s16+$0x0], $0xffff  }
.LBB2_11:
0x101: {  	v21 =	vld [tilespmem:s2+$0x10];
	[tilespmem:s30+$0xFFFFF820] =	vst v17  }
0x102: {  	s3 =	sadd.s32 $0x4, s3;
	[tilespmem:s30+$0xFFFFF800] =	vst v16;
	v16 =	vld.idx.msk [tilespmem:v20+s16+$0x0], $0xffff  }
0x103: {  	p0 =	slt.u32 s3, $0x7C;
	v17 =	vld [tilespmem:s2+$0xFFFFFFF0];
	[tilespmem:s30+$0xFFFFF810] =	vst v18  }
0x104: {  	v18 =	vld [tilespmem:s2+$0x0];
	[tilespmem:s31+$0xE880] =	vst v19;
	v19 =	vadd.s32 $0x2800, v1  }
0x105: {  	v20 =	vld [tilespmem:s2+$0xFFFFFFE0];
	[tilespmem:s29+$0x1800] =	vst v14  }
0x106: {  	v14 =	vld.idx.msk [tilespmem:v12+s16+$0x0], $0xffff;
	[tilespmem:s29+$0x1810] =	vst v15;
	s29 =	smov.u32 s30  }
0x107: {  	v15 =	vld.idx.msk [tilespmem:v11+s16+$0x0], $0xffff  }
0x108: {  	v22 =	vadd.s32 $0x800, v17;
	v23 =	vadd.s32 $0x1000, v17;
	v24 =	vadd.s32 $0x1800, v17;
	v25 =	vld.idx.msk [tilespmem:v13+s16+$0x0], $0xffff;
	[tilespmem:s30+$0x20] =	vst v16  }
0x109: {  	v16 =	vadd.s32 $0x800, v18;
	v26 =	vadd.s32 $0x1000, v18;
	v27 =	vadd.s32 $0x1800, v18;
	v19 =	vld.idx.msk [tilespmem:v19+s16+$0x0], $0xffff  }
0x10a: {  	v28 =	vadd.s32 $0x800, v20;
	v29 =	vadd.s32 $0x1000, v20;
	v30 =	vadd.s32 $0x1800, v20;
	v31 =	vld.idx.msk [tilespmem:v21+s16+$0x0], $0xffff  }
0x10b: {  	v33 =	vadd.s32 $0x3000, v1;
	v11 =	vadd.s32 $0x2000, v17;
	v12 =	vadd.s32 $0x2000, v20;
	v32 =	vld.idx.msk [tilespmem:v17+s16+$0x0], $0xffff  }
0x10c: {  	v36 =	vadd.s32 $0x800, v21;
	v13 =	vadd.s32 $0x2000, v18;
	v34 =	vadd.s32 $0x2800, v20;
	v35 =	vld.idx.msk [tilespmem:v18+s16+$0x0], $0xffff;
	[tilespmem:s31+$0xF080] =	vst v14  }
0x10d: {  	v38 =	vadd.s32 $0x2800, v17;
	v39 =	vadd.s32 $0x2800, v18;
	v37 =	vadd.s32 $0x3000, v20;
	v14 =	vld.idx.msk [tilespmem:v20+s16+$0x0], $0xffff;
	[tilespmem:s30+$0x0] =	vst v15  }
0x10e: {  	v40 =	vadd.s32 $0x3000, v18;
	v15 =	vadd.s32 $0x3800, v20;
	v20 =	vadd.s32 $0x3000, v17;
	v41 =	vld.idx.msk [tilespmem:v8+s16+$0x0], $0xffff;
	[tilespmem:s30+$0x10] =	vst v25;
	v8 =	vmovc v34  }
0x10f: {  	v25 =	vadd.s32 $0x3800, v17;
	v34 =	vadd.s32 $0x3800, v18;
	s30 =	sadd.s32 $0x40, s30;
	v17 =	vld.idx.msk [tilespmem:v10+s16+$0x0], $0xffff;
	[tilespmem:s29+$0x820] =	vst v19;
	v10 =	vmov v38  }
0x110: {  	[tilespmem:s30+$0xFFFFE020] =	vst v31;
	v18 =	vld.idx.msk [tilespmem:v33+s16+$0x0], $0xffff  }
0x111: {  	[tilespmem:s30+$0xFFFFE000] =	vst v32;
	v19 =	vld.idx.msk [tilespmem:v36+s16+$0x0], $0xffff  }
0x112: {  	v31 =	vadd.s32 $0x3800, v1;
	v1 =	vmov v21;
	v22 =	vld.idx.msk [tilespmem:v22+s16+$0x0], $0xffff;
	[tilespmem:s30+$0xFFFFE010] =	vst v35  }
0x113: {  	[tilespmem:s30+$0xFFFFDFF0] =	vst v14;
	v14 =	vld.idx.msk [tilespmem:v16+s16+$0x0], $0xffff;
	v16 =	vadd.s32 $0x1000, v1  }
0x114: {  	v21 =	vld.idx.msk [tilespmem:v28+s16+$0x0], $0xffff;
	[tilespmem:s31+$0xF880] =	vst v41  }
0x115: {  	[tilespmem:s29+$0x800] =	vst v17;
	v17 =	vld.idx.msk [tilespmem:v9+s16+$0x0], $0xffff;
	v9 =	vmov v39  }
0x116: {  	v28 =	vld.idx.msk [tilespmem:v4+s16+$0x0], $0xffff;
	[tilespmem:s29+$0x1020] =	vst v18;
	v4 =	vmov v37  }
0x117: {  	[tilespmem:s30+$0xFFFFE820] =	vst v19;
	v18 =	vld.idx.msk [tilespmem:v31+s16+$0x0], $0xffff  }
0x118: {  	s0 =	sadd.s32 $0x40, s0;
	[tilespmem:s30+$0xFFFFE800] =	vst v22;
	v16 =	vld.idx.msk [tilespmem:v16+s16+$0x0], $0xffff  }
0x119: {  	s14 =	sand.u32 $0x7C0, s0;
	v19 =	vld.idx.msk [tilespmem:v23+s16+$0x0], $0xffff;
	[tilespmem:s30+$0xFFFFE810] =	vst v14  }
0x11a: {  	[tilespmem:s14+$0xD880] =	vst v21;
	v14 =	vld.idx.msk [tilespmem:v26+s16+$0x0], $0xffff;
	v21 =	vadd.s32 $0x1800, v1  }
0x11b: {  	v22 =	vld.idx.msk [tilespmem:v29+s16+$0x0], $0xffff;
	[tilespmem:s29+$0x810] =	vst v17  }
0x11c: {  	[tilespmem:s31+$0x10080] =	vst v28;
	v23 =	vld.idx.msk [tilespmem:v6+s16+$0x0], $0xffff;
	v6 =	vmov v20  }
0x11d: {  	v26 =	vld.idx.msk [tilespmem:v7+s16+$0x0], $0xffff;
	[tilespmem:s29+$0x1820] =	vst v18;
	v7 =	vmov v40  }
0x11e: {  	[tilespmem:s30+$0xFFFFF020] =	vst v16;
	v28 =	vld.idx.msk [tilespmem:v2+s16+$0x0], $0xffff;
	v2 =	vmov v15  }
0x11f: {  	[tilespmem:s30+$0xFFFFF000] =	vst v19;
	v17 =	vld.idx.msk [tilespmem:v21+s16+$0x0], $0xffff  }
.Ltmp7:
0x120: {  	v16 =	vld.idx.msk [tilespmem:v24+s16+$0x0], $0xffff;
	[tilespmem:s30+$0xFFFFF010] =	vst v14;
	(pc) =	sbr.rel @p0 .LBB2_11-.Ltmp7, $4  }
0x121: {  	v20 =	vadd.s32 $0x2000, v1;
	[tilespmem:s14+$0xE080] =	vst v22;
	v18 =	vld.idx.msk [tilespmem:v27+s16+$0x0], $0xffff  }
0x122: {  	v19 =	vld.idx.msk [tilespmem:v30+s16+$0x0], $0xffff;
	[tilespmem:s29+$0x1000] =	vst v23  }
0x123: {  	v14 =	vld.idx.msk [tilespmem:v5+s16+$0x0], $0xffff;
	[tilespmem:s29+$0x1010] =	vst v26;
	v5 =	vmov v25  }
0x124: {  	s2 =	sadd.s32 $0x40, s2;
	[tilespmem:s31+$0x10880] =	vst v28;
	v15 =	vld.idx.msk [tilespmem:v3+s16+$0x0], $0xffff;
	v3 =	vmov v34;
	s31 =	smov.u32 s14  }
0x125: {  	_ =	sdelay $0x2  }
0x126: {  	[tilespmem:s30+$0xFFFFF820] =	vst v17  }
0x127: {  	[tilespmem:s30+$0xFFFFF800] =	vst v16;
	v17 =	vld.idx.msk [tilespmem:v20+s16+$0x0], $0xffff  }
0x128: {  	v60 =	vadd.s32 $0x2800, v1;
	[tilespmem:s30+$0xFFFFF810] =	vst v18;
	v11 =	vld.idx.msk [tilespmem:v11+s16+$0x0], $0xffff  }
0x129: {  	[tilespmem:s31+$0xE880] =	vst v19;
	v13 =	vld.idx.msk [tilespmem:v13+s16+$0x0], $0xffff  }
0x12a: {  	v12 =	vld.idx.msk [tilespmem:v12+s16+$0x0], $0xffff;
	_ =	sdelay $0x1  }
0x12b: {  	[tilespmem:s30+$0x20] =	vst v17  }
0x12c: {  	[tilespmem:s30+$0x0] =	vst v11;
	v16 =	vld.idx.msk [tilespmem:v60+s16+$0x0], $0xffff  }
0x12d: {  	v61 =	vadd.s32 $0x3000, v1;
	[tilespmem:s30+$0x10] =	vst v13;
	v10 =	vld.idx.msk [tilespmem:v10+s16+$0x0], $0xffff  }
0x12e: {  	[tilespmem:s31+$0xF080] =	vst v12;
	v9 =	vld.idx.msk [tilespmem:v9+s16+$0x0], $0xffff  }
0x12f: {  	v8 =	vld.idx.msk [tilespmem:v8+s16+$0x0], $0xffff;
	_ =	sdelay $0x1  }
0x130: {  	[tilespmem:s30+$0x820] =	vst v16  }
0x131: {  	[tilespmem:s30+$0x800] =	vst v10;
	v62 =	vld.idx.msk [tilespmem:v61+s16+$0x0], $0xffff  }
0x132: {  	v1 =	vadd.s32 $0x3800, v1;
	[tilespmem:s30+$0x810] =	vst v9;
	v6 =	vld.idx.msk [tilespmem:v6+s16+$0x0], $0xffff  }
0x133: {  	[tilespmem:s31+$0xF880] =	vst v8;
	v7 =	vld.idx.msk [tilespmem:v7+s16+$0x0], $0xffff  }
0x134: {  	v4 =	vld.idx.msk [tilespmem:v4+s16+$0x0], $0xffff;
	_ =	sdelay $0x1  }
0x135: {  	[tilespmem:s30+$0x1020] =	vst v62  }
0x136: {  	[tilespmem:s30+$0x1000] =	vst v6;
	v1 =	vld.idx.msk [tilespmem:v1+s16+$0x0], $0xffff  }
0x137: {  	v63 =	vld.idx.msk [tilespmem:v5+s16+$0x0], $0xffff;
	[tilespmem:s30+$0x1010] =	vst v7  }
0x138: {  	[tilespmem:s31+$0x10080] =	vst v4;
	v3 =	vld.idx.msk [tilespmem:v3+s16+$0x0], $0xffff  }
0x139: {  	[tilespmem:s29+$0x1800] =	vst v14;
	v2 =	vld.idx.msk [tilespmem:v2+s16+$0x0], $0xffff  }
0x13a: {  	p0 =	seq.s32 s25, $0x3F;
	[tilespmem:s29+$0x1810] =	vst v15  }
.Ltmp8:
0x13b: {  	[tilespmem:s30+$0x1820] =	vst v1;
	(pc) =	sbr.rel @p0 .LBB2_14-.Ltmp8, $4  }
0x13c: {  	[tilespmem:s30+$0x1800] =	vst v63  }
0x13d: {  	s0 =	sadd.s32 s28, s7;
	[tilespmem:s30+$0x1810] =	vst v3  }
0x13e: {  	s0 =	sadd.s32 $0x800, s0;
	[tilespmem:s31+$0x10880] =	vst v2  }
0x13f: {  	[hbm4b:s0+s4] =	stream.linear.scatter [tilespmem:s21], [sflag:$0x4], $0x4000, $0x38;
	[tilespmem:$0x11080] =	vst v63  }
.Ltmp9:
0x140: {  	(pc) =	sbr.rel .LBB2_4-.Ltmp9, $4  }
0x141: {  	s0 =	sadd.s32 s26, s11  }
0x142: {  	s0 =	sshrl.u32 s0, $0x3  }
0x143: {  	s25 =	sadd.s32 $0x1, s25;
	s0 =	sadd.s32 s1, s0  }
0x144: {  	[tilespmem:s16], [sflag:$0x2] =	stream.linear.gather [hbm4b:s0+s4], $0x4000, $0x38;
	[tilespmem:$0x11080] =	vst v63  }
.LBB2_15:
0x145: {  	_ =	sfence.sel $0x180000  }
0x146: {  	[bflag:$0x0] =	sbarrier.arrive $0xFFFF  }
0x147: {  	_ =	strace $0x9000004A  }
0x148: {  	s0 =	stileid.u32;
	[bflag:$0x2] =	sbarrier.arrive $0xFFFF  }
0x149: {  	p0 =	sne.s32 s0, $0x0;
	s0 =	rddreg [dreg:$0x3]  }
0x14a: {  	s0 =	sadd.s32 @!p0 $0x100000, s0  }
0x14b: {  	[sflag:s0] =	ssyncadd.tile.s32 @!p0 $0x1;
	_ =	shalt  }
.Lfunc_end2:
_tile_overlayer_lowered:
.L_overlay_start_2:
0x14c: {  	(tag) =	ssettag $0x2  }
0x14d: {  	s0 =	rddreg [dreg:$0x0];
	s2 =	stileid.u32  }
0x14e: {  	s1 =	rddreg [dreg:$0x1];
	p0 =	sne.s32 s2, $0x0  }
0x14f: {  	s3 =	rddreg [dreg:$0x2];
	[bflag:$0x3] =	sbarrier.arrive $0xFFFF;
	s2 =	simm.s32 @!p0 $0x1C05  }
0x150: {  	[timem:s3], [sflag:s2] =	dma.local @!p0 [hbm:s0], s1  }
0x151: {  	s0 =	simm.s32 @!p0 $0x5  }
0x152: {  	_ =	swait.ge @!p0 [sflag:s0], s1  }
0x153: {  	s1 =	ssub.s32 @!p0 $0x0, s1;
	[sflag:s0] =	ssyncset.done @!p0 $0x0  }
0x154: {  	[sflag:s0] =	ssyncadd.s32 @!p0 s1  }
0x155: {  	[bflag:$0x3] =	sbarrier.arrive $0xFFFF  }
0x156: {  	_ =	shalt  }

// kernel: sparse-core-data-format-call.cloned.1.call-start
scs
called_computation_lowered:
.L_overlay_start_0:
0x0: {  	s2 =	sld [smem:$0x3FD9]  }
0x1: {  	s3 =	sld [smem:$0x3FFE];
	_ =	sdelay $0x1  }
0x2: {  	s1 =	srdreg.scid  }
0x3: {  	s0 =	sand.u32 $0x1, s1  }
0x4: {  	s19 =	sshll.u32 s0, $0xA;
	s2 =	sadd.s32 s3, s2  }
0x5: {  	s2 =	sadd.s32 s2, s19  }
0x6: {  	[smem:$0x3FC5] =	sst s2  }
0x7: {  	_ = 	snop  }
0x8: {  	s2 =	sld [smem:$0x3FC9]  }
0x9: {  	s20 =	sld [smem:$0x3FD0];
	(tm) =	ssettm $0x1  }
0xa: {  	s4 =	sld [smem:$0x3FFB];
	_ =	sdelay $0x3  }
0xb: {  	_ =	strace s4  }
0xc: {  	s4 =	sld [smem:$0x3FFC];
	_ =	sdelay $0x3  }
0xd: {  	_ =	strace s4  }
0xe: {  	s4 =	sld [smem:$0x3FFD];
	_ =	sdelay $0x3  }
0xf: {  	_ =	strace s4  }
0x10: {  	_ =	strace $0x8FFFFFFF  }
0x11: {  	s21 =	sld [smem:$0x3FDB];
	_ =	sdelay $0x1  }
0x12: {  	s5 =	simm.s32 $_scs_section_size  }
0x13: {  	s6 =	simm.s32 $_size__tile_overlayer_lowered;
	s7 =	simm.s32 $_tile_overlayer_lowered  }
0x14: {  	s24 =	simm.s32 $0x1BFF;
	s23 =	sshll.u32 s7, $0x1;
	s4 =	sadd.s32 s5, s21  }
0x15: {  	s8 =	simm.s32 $0x0;
	s22 =	sshll.u32 s6, $0x1;
	s6 =	sadd.s32 s23, s4  }
0x16: {  	[timem:s8], [sflag:s24] =	dma.local [hbm:s6], s22  }
0x17: {  	_ =	swait.ge [sflag:s24], s22  }
0x18: {  	s5 =	ssub.s32 $0x0, s22;
	[sflag:s24] =	ssyncset.done $0x0  }
0x19: {  	[sflag:s24] =	ssyncadd.s32 s5;
	_ =	sdelay $0x1  }
0x1a: {  	s25 =	simm.s32 $0x1B8B  }
0x1b: {  	_ =	swait.ge [sflag:s25], $0x1  }
0x1c: {  	[sflag:s25] =	ssyncset.done $0x0  }
0x1d: {  	s26 =	simm.s32 $0x1B8E;
	[sflag:s25] =	ssyncadd.s32 $0xFFFFFFFF  }
0x1e: {  	s27 =	simm.s32 $execute0_lowered;
	[smem:$0x3FD2] =	sst s26  }
0x1f: {  	s5 =	sshll.u32 s27, $0x1;
	_ =	strace $0x80000046;
	[dreg:$0x1] =	wrdreg $0xFFFFFFFF  }
0x20: {  	s28 =	simm.s32 $_size_execute0_lowered;
	s4 =	sadd.s32 s4, s5;
	[dreg:$0x0] =	wrdreg $0x0  }
0x21: {  	s5 =	sshll.u32 s28, $0x1;
	[dreg:$0x2] =	wrdreg s4  }
0x22: {  	[dreg:$0x3] =	wrdreg s5  }
0x23: {  	[dreg:$0x4] =	wrdreg $0xC0  }
0x24: {  	_ =	task [dreg:s8], $0x5FFFF  }
0x25: {  	[dreg:$0x1] =	wrdreg $0xFFFFFFFF  }
0x26: {  	[dreg:$0x0] =	wrdreg $0x60  }
0x27: {  	[dreg:$0x2] =	wrdreg s2  }
0x28: {  	[dreg:$0x3] =	wrdreg s20  }
0x29: {  	[dreg:$0x4] =	wrdreg $0x9  }
0x2a: {  	_ =	task.clear_ibuf [dreg:s8], $0x5FFFF;
	_ =	strace $0x90000046  }
0x2b: {  	s29 =	simm.s32 $0x9;
	_ =	strace $0x80000048  }
0x2c: {  	_ =	swait.ge [sflag:s29], $0x1  }
0x2d: {  	[sflag:s29] =	ssyncadd.s32 $0xFFFFFFFF  }
0x2e: {  	_ =	strace $0x90000048  }
0x2f: {  	_ =	sfence  }
0x30: {  	s30 =	sld [smem:$0x0];
	_ =	sdelay $0x2  }
0x31: {  	s31 =	sshll.u32 s1, $0xD;
	s1 =	sshrl.u32 s1, $0x2  }
0x32: {  	s3 =	sand.u32 $0x4000, s31;
	s1 =	sadd.s32 s1, s30  }
0x33: {  	s0 =	sor.u32 s3, s0;
	s1 =	sshll.u32 s1, $0x11  }
0x34: {  	s0 =	sor.u32 s1, s0  }
0x35: {  	s0 =	sadd.s32 $0x8F2B, s0  }
0x36: {  	[sflag:s0] =	ssyncadd.remote.s32 $0x1  }
0x37: {  	_ =	sfence.sel $0xFFFF  }
0x38: {  	[dreg:$0x0] =	wrdreg $0xFFFFFFFF;
	(pc) =	sbr.abs _section_cstart, $3  }
0x39: {  	[dreg:$0x1] =	wrdreg $0xFFFFFFFF  }
0x3a: {  	_ =	task.clear_ibuf [dreg:s8], $0x2FFFF;
	_ =	strace $0x9FFFFFFF  }
0x3b: {  	(tm) =	ssettm $0x7FFFFFFF  }
tec
execute0_lowered:
.L_overlay_start_1:
0x0: {  	(tag) =	ssettag $0x1  }
0x1: {  	s2 =	rddreg [dreg:$0x0]  }
0x2: {  	s3 =	rddreg [dreg:$0x1]  }
0x3: {  	s0 =	rddreg [dreg:$0x2];
	s4 =	srdreg.scid  }
.Ltmp0:
0x4: {  	_ =	strace $0x80000047;
	s1 =	stileid.u32;
	(pc) =	sbr.rel .LBB1_1-.Ltmp0, $4  }
0x5: {  	s6 =	simm.s32 $0x2;
	p0 =	por $0x0, $0x0;
	s5 =	sshll.u32 s4, $0x4  }
0x6: {  	s9 =	simm.s32 $0x0;
	s4 =	simm.s32 $0x1;
	s5 =	sand.u32 $0x10, s5  }
0x7: {  	s7 =	simm.s32 $0x0;
	[sflag:s4] =	ssyncpa.u1 $0x0;
	s5 =	sor.u32 s1, s5  }
0x8: {  	[sflag:s6] =	ssyncpa.u1 $0x0;
	s6 =	simm.s32 $0x0;
	s8 =	smov.u32 s5  }
.LBB1_7:
0x9: {  	s11 =	sadd.s32 $0x20, s8  }
0xa: {  	p1 =	slt.u32 s7, $0x2;
	s7 =	sadd.s32 $0x1, s7;
	p2 =	sgt.s32 s11, $0xFFF  }
0xb: {  	s11 =	smov.u32 @p2 s5;
	p2 =	sne.s32 s7, $0x82  }
.Ltmp1:
0xc: {  	_ = 	snop;
	(pc) =	sbr.rel @!p2 .LBB1_8-.Ltmp1, $4  }
0xd: {  	s10 =	simm.s32 @!p1 $0x2  }
0xe: {  	_ =	swait.ge @!p1 [sflag:s10], $0x4000  }
0xf: {  	s9 =	smov.u32 s8;
	[sflag:s10] =	ssyncset.done @!p1 $0x0  }
0x10: {  	p0 =	por !p0, !p0;
	s8 =	smov.u32 s11;
	[sflag:s10] =	ssyncadd.s32 @!p1 $0xFFFFC000  }
.LBB1_1:
0x11: {  	p1 =	sgt.u32 s7, $0x7F  }
0x12: {  	s10 =	sxor.u32 @!p1 $0xFFFFFFFF, s7  }
0x13: {  	s11 =	sshll.u32 @!p1 s8, $0xB;
	s10 =	sshll.u32 @!p1 s10, $0xE  }
0x14: {  	s12 =	simm.s32 @!p1 $0x0;
	s11 =	sadd.s32 @!p1 s2, s11;
	s10 =	sand.u32 @!p1 $0x4000, s10  }
0x15: {  	[tilespmem:s10], [sflag:$0x1] =	stream.linear.gather @!p1 [hbm4b:s11+s12], $0x4000, $0x38;
	[tilespmem:$0x10000] =	vst v63  }
0x16: {  	p1 =	seq.s32 s7, $0x0  }
0x17: {  	p2 =	seq.s32 @!p1 s7, $0x81  }
0x18: {  	p1 =	por p1, p2  }
.Ltmp2:
0x19: {  	_ = 	snop;
	(pc) =	sbr.rel @p1 .LBB1_7-.Ltmp2, $1  }
0x1a: {  	_ =	sdelay $0x3  }
0x1b: {  	s10 =	simm.s32 $0x1;
	_ =	swait.ge [sflag:s4], $0x4000;
	s12 =	sshll.u32 s7, $0xE  }
0x1c: {  	s13 =	simm.s32 $0x0;
	s10 =	simm.s32 @!p0 $0x0;
	[sflag:s4] =	ssyncset.done $0x0  }
0x1d: {  	s12 =	sand.u32 $0x4000, s12;
	s11 =	sshll.u32 s10, $0xE;
	[sflag:s4] =	ssyncadd.s32 $0xFFFFC000  }
0x1e: {  	s12 =	sor.u32 $0x8000, s12;
	s10 =	sor.u32 $0x8040, s11;
	s11 =	sor.u32 $0x40, s11  }
.LBB1_3:
0x1f: {  	v0 =	vmov s11;
	_ =	sdelay $0x3  }
0x20: {  	s15 =	simm.s32 $0x0  }
0x21: {  	v6 =	vld.idx.msk [tilespmem:v0+s15+$0x30 ss:$0x1], $0xffff  }
0x22: {  	v7 =	vld.idx.msk [tilespmem:v0+s15+$0xFFFFFFC0 ss:$0x1], $0xffff  }
0x23: {  	v5 =	vld.idx.msk [tilespmem:v0+s15+$0xFFFFFFD0 ss:$0x1], $0xffff  }
0x24: {  	v4 =	vld.idx.msk [tilespmem:v0+s15+$0xFFFFFFE0 ss:$0x1], $0xffff  }
0x25: {  	v3 =	vld.idx.msk [tilespmem:v0+s15+$0xFFFFFFF0 ss:$0x1], $0xffff  }
0x26: {  	v1 =	vld.idx.msk [tilespmem:v0+s15+$0x0 ss:$0x1], $0xffff  }
0x27: {  	v2 =	vld.idx.msk [tilespmem:v0+s15+$0x10 ss:$0x1], $0xffff;
	[tilespmem:s10+$0x30] =	vst v6  }
0x28: {  	s14 =	simm.s32 $0x80;
	s16 =	simm.s32 $0x400;
	[tilespmem:s10+$0xFFFFFFC0] =	vst v7;
	v6 =	vld.idx.msk [tilespmem:v0+s15+$0x20 ss:$0x1], $0xffff;
	s15 =	smov.u32 s10  }
.LBB1_4:
0x29: {  	p1 =	sne.s32 s16, $0xE00;
	v7 =	vld.idx.msk [tilespmem:v0+s14+$0x30 ss:$0x1], $0xffff;
	[tilespmem:s15+$0xFFFFFFD0] =	vst v5  }
0x2a: {  	v8 =	vld.idx.msk [tilespmem:v0+s14+$0xFFFFFFC0 ss:$0x1], $0xffff;
	[tilespmem:s15+$0xFFFFFFE0] =	vst v4  }
0x2b: {  	v5 =	vld.idx.msk [tilespmem:v0+s14+$0xFFFFFFD0 ss:$0x1], $0xffff;
	[tilespmem:s15+$0xFFFFFFF0] =	vst v3  }
.Ltmp3:
0x2c: {  	v4 =	vld.idx.msk [tilespmem:v0+s14+$0xFFFFFFE0 ss:$0x1], $0xffff;
	[tilespmem:s15+$0x0] =	vst v1;
	(pc) =	sbr.rel @p1 .LBB1_4-.Ltmp3, $4  }
0x2d: {  	v3 =	vld.idx.msk [tilespmem:v0+s14+$0xFFFFFFF0 ss:$0x1], $0xffff;
	[tilespmem:s15+$0x10] =	vst v2  }
0x2e: {  	v1 =	vld.idx.msk [tilespmem:v0+s14+$0x0 ss:$0x1], $0xffff;
	[tilespmem:s15+$0x20] =	vst v6;
	s15 =	sadd.s32 $0x800, s15  }
0x2f: {  	v2 =	vld.idx.msk [tilespmem:v0+s14+$0x10 ss:$0x1], $0xffff;
	[tilespmem:s15+$0x30] =	vst v7  }
0x30: {  	[tilespmem:s15+$0xFFFFFFC0] =	vst v8;
	v6 =	vld.idx.msk [tilespmem:v0+s14+$0x20 ss:$0x1], $0xffff;
	s14 =	sshra.s32 s16, $0x2;
	s16 =	sadd.s32 $0x200, s16  }
0x31: {  	_ =	sdelay $0x2  }
0x32: {  	[tilespmem:s15+$0xFFFFFFD0] =	vst v5  }
0x33: {  	v56 =	vld.idx.msk [tilespmem:v0+s14+$0x30 ss:$0x1], $0xffff;
	[tilespmem:s15+$0xFFFFFFE0] =	vst v4  }
0x34: {  	v57 =	vld.idx.msk [tilespmem:v0+s14+$0xFFFFFFC0 ss:$0x1], $0xffff;
	[tilespmem:s15+$0xFFFFFFF0] =	vst v3  }
0x35: {  	v58 =	vld.idx.msk [tilespmem:v0+s14+$0xFFFFFFD0 ss:$0x1], $0xffff;
	[tilespmem:s15+$0x0] =	vst v1  }
0x36: {  	v59 =	vld.idx.msk [tilespmem:v0+s14+$0xFFFFFFE0 ss:$0x1], $0xffff;
	[tilespmem:s15+$0x10] =	vst v2  }
0x37: {  	v60 =	vld.idx.msk [tilespmem:v0+s14+$0xFFFFFFF0 ss:$0x1], $0xffff;
	s31 =	sadd.s32 $0x800, s15;
	[tilespmem:s15+$0x20] =	vst v6  }
0x38: {  	v61 =	vld.idx.msk [tilespmem:v0+s14+$0x0 ss:$0x1], $0xffff;
	[tilespmem:s31+$0x30] =	vst v56  }
0x39: {  	v62 =	vld.idx.msk [tilespmem:v0+s14+$0x10 ss:$0x1], $0xffff;
	s13 =	sadd.s32 $0x1, s13;
	[tilespmem:s31+$0xFFFFFFC0] =	vst v57  }
0x3a: {  	v63 =	vld.idx.msk [tilespmem:v0+s14+$0x20 ss:$0x1], $0xffff;
	p1 =	sne.s32 s13, $0x10;
	[tilespmem:s31+$0xFFFFFFD0] =	vst v58  }
.Ltmp4:
0x3b: {  	[tilespmem:s31+$0xFFFFFFE0] =	vst v59;
	(pc) =	sbr.rel @p1 .LBB1_3-.Ltmp4, $4  }
0x3c: {  	[tilespmem:s31+$0xFFFFFFF0] =	vst v60  }
0x3d: {  	[tilespmem:s31+$0x0] =	vst v61  }
0x3e: {  	[tilespmem:s31+$0x10] =	vst v62  }
0x3f: {  	s10 =	sadd.s32 $0x80, s10;
	s11 =	sadd.s32 $0x400, s11;
	[tilespmem:s31+$0x20] =	vst v63  }
.Ltmp5:
0x40: {  	(pc) =	sbr.rel .LBB1_7-.Ltmp5, $4  }
0x41: {  	_ = 	snop  }
0x42: {  	s9 =	sshll.u32 s9, $0xB  }
0x43: {  	s9 =	sadd.s32 s3, s9  }
0x44: {  	[hbm4b:s9+s6] =	stream.linear.scatter [tilespmem:s12], [sflag:$0x2], $0x4000, $0x38;
	[tilespmem:$0x10000] =	vst v63  }
.LBB1_8:
0x45: {  	_ =	sfence.sel $0x180000  }
0x46: {  	s2 =	simm.s32 $0x1;
	[bflag:$0x0] =	sbarrier.arrive $0xFFFF  }
0x47: {  	s31 =	simm.s32 $0x2;
	[sflag:s2] =	ssyncpa.u1 $0x1  }
0x48: {  	[sflag:s31] =	ssyncpa.u1 $0x1  }
0x49: {  	p0 =	sne.s32 s1, $0x0;
	_ =	strace $0x90000047  }
0x4a: {  	s0 =	sadd.s32 @!p0 $0x100000, s0;
	[bflag:$0x2] =	sbarrier.arrive $0xFFFF  }
0x4b: {  	[sflag:s0] =	ssyncadd.tile.s32 @!p0 $0x1;
	_ =	shalt  }
.Lfunc_end1:
_tile_overlayer_lowered:
.L_overlay_start_2:
0x4c: {  	(tag) =	ssettag $0x2  }
0x4d: {  	s0 =	rddreg [dreg:$0x0];
	s2 =	stileid.u32  }
0x4e: {  	s1 =	rddreg [dreg:$0x1];
	p0 =	sne.s32 s2, $0x0  }
0x4f: {  	s3 =	rddreg [dreg:$0x2];
	[bflag:$0x3] =	sbarrier.arrive $0xFFFF;
	s2 =	simm.s32 @!p0 $0x1C01  }
0x50: {  	[timem:s3], [sflag:s2] =	dma.local @!p0 [hbm:s0], s1  }
0x51: {  	s0 =	simm.s32 @!p0 $0x1  }
0x52: {  	_ =	swait.ge @!p0 [sflag:s0], s1  }
0x53: {  	s1 =	ssub.s32 @!p0 $0x0, s1;
	[sflag:s0] =	ssyncset.done @!p0 $0x0  }
0x54: {  	[sflag:s0] =	ssyncadd.s32 @!p0 s1  }
0x55: {  	[bflag:$0x3] =	sbarrier.arrive $0xFFFF  }
0x56: {  	_ =	shalt  }

</sc_bundles>
